<compile_context>
chip_gen: v7x
topology: tpu7x:2x2x1
jax: 0.10.2.dev20260603
libtpu: 0.0.44.dev20260713+nightly
codegen_flags: <defaults>
</compile_context>

<pallas_src>
import jax
import jax.numpy as jnp
from jax import lax
from jax.experimental import pallas as pl
from jax.experimental.pallas import tpu as pltpu
from jax.experimental.pallas import tpu_sc as plsc

N = 10000
E = 320000
C = 128
K = 27
EPS = 1e-5

NC = 2
NS = 16
NW = NC * NS
ET = E // NW
CH = 80
NCH = ET // CH
SB = 400
NSB = ET // SB
RT0 = 624
RTL = N - (NS - 1) * RT0

BN = 2000
NB = N // BN


def _xw_body(x_ref, w_ref, out_ref):
    out_ref[...] = jnp.dot(x_ref[...], w_ref[0],
                           preferred_element_type=jnp.float32)


def _i0():
    return jnp.int32(0)


def _compute_xw(x, W):
    return pl.pallas_call(
        _xw_body,
        grid=(NB, K),
        in_specs=[
            pl.BlockSpec((BN, C), lambda nb, k: (nb, _i0())),
            pl.BlockSpec((1, C, C), lambda nb, k: (k, _i0(), _i0())),
        ],
        out_specs=pl.BlockSpec((BN, C), lambda nb, k: (k * jnp.int32(NB) + nb, _i0())),
        out_shape=jax.ShapeDtypeStruct((K * N, C), jnp.float32),
    )(x, W)


def _sc_body(xw_hbm, src_hbm, kidx_hbm, dst_hbm, zeros_hbm, out_hbm,
             src_c, kidx_c, gidx_v, dst_v, rows_v, feats_sp, sem):
    i32 = jnp.int32
    c = lax.axis_index("c").astype(i32)
    s = lax.axis_index("s").astype(i32)
    wid = c * i32(NS) + s
    ebase = wid * i32(ET)

    pltpu.sync_copy(dst_hbm.at[wid], dst_v)

    row0 = s * i32(RT0)
    zrows = rows_v.at[i32(0)]
    pltpu.sync_copy(zeros_hbm, zrows)
    for m in range(7):
        pltpu.sync_copy(zrows, feats_sp.at[pl.ds(row0 + i32(m * CH), CH)])

    @pl.when(s < i32(NS - 1))
    def _():
        pltpu.sync_copy(zrows.at[pl.ds(i32(0), RT0 - 7 * CH)],
                        feats_sp.at[pl.ds(row0 + i32(7 * CH), RT0 - 7 * CH)])

    @pl.when(s == i32(NS - 1))
    def _():
        pltpu.sync_copy(zrows, feats_sp.at[pl.ds(row0 + i32(7 * CH), CH)])

    def stage_body(b, carry):
        boff = ebase + b * i32(SB)
        pltpu.sync_copy(src_hbm.at[pl.ds(boff, SB)], src_c)
        pltpu.sync_copy(kidx_hbm.at[pl.ds(boff, SB)], kidx_c)

        def gidx_body(i, carry2):
            sl = pl.ds(i * i32(16), 16)
            osl = pl.ds(b * i32(SB) + i * i32(16), 16)
            gidx_v[osl] = kidx_c[sl] * i32(N) + src_c[sl]
            return carry2

        return lax.fori_loop(i32(0), i32(SB // 16), gidx_body, carry)

    lax.fori_loop(i32(0), i32(NSB), stage_body, i32(0))

    plsc.subcore_barrier()

    rows_a, rows_b = rows_v.at[i32(0)], rows_v.at[i32(1)]
    sem_ga, sem_gb = sem.at[i32(0)], sem.at[i32(1)]
    sem_sa, sem_sb = sem.at[i32(2)], sem.at[i32(3)]

    def issue_g(j, rbuf, rsem):
        pltpu.async_copy(
            xw_hbm.at[gidx_v.at[pl.ds(j * i32(CH), CH)]], rbuf, rsem)

    def wait_g(j, rbuf, rsem):
        pltpu.make_async_copy(
            xw_hbm.at[gidx_v.at[pl.ds(j * i32(CH), CH)]], rbuf, rsem).wait()

    def issue_s(j, rbuf, rsem):
        pltpu.async_copy(rbuf, feats_sp.at[dst_v.at[j]], rsem, add=True)

    def wait_s(j, rbuf, rsem):
        pltpu.make_async_copy(rbuf, feats_sp.at[dst_v.at[j]], rsem).wait()

    issue_g(i32(0), rows_a, sem_ga)
    issue_g(i32(1), rows_b, sem_gb)

    def chunk_body(h, carry):
        j0 = h * i32(2)
        wait_g(j0, rows_a, sem_ga)
        issue_s(j0, rows_a, sem_sa)
        wait_g(j0 + i32(1), rows_b, sem_gb)
        issue_s(j0 + i32(1), rows_b, sem_sb)
        wait_s(j0, rows_a, sem_sa)

        @pl.when(j0 + i32(2) < i32(NCH))
        def _():
            issue_g(j0 + i32(2), rows_a, sem_ga)

        wait_s(j0 + i32(1), rows_b, sem_sb)

        @pl.when(j0 + i32(3) < i32(NCH))
        def _():
            issue_g(j0 + i32(3), rows_b, sem_gb)

        return carry

    lax.fori_loop(i32(0), i32(NCH // 2), chunk_body, i32(0))

    wait_g(i32(NCH - 1), rows_a, sem_ga)
    pltpu.sync_copy(rows_a, feats_sp.at[dst_v.at[i32(NCH - 1)]], add=True)

    plsc.subcore_barrier()

    orow0 = c * i32(N) + row0

    @pl.when(s < i32(NS - 1))
    def _():
        pltpu.sync_copy(feats_sp.at[pl.ds(row0, RT0)],
                        out_hbm.at[pl.ds(orow0, RT0)])

    @pl.when(s == i32(NS - 1))
    def _():
        pltpu.sync_copy(feats_sp.at[pl.ds(row0, RTL)],
                        out_hbm.at[pl.ds(orow0, RTL)])


def _sc_gather_scatter(xw, src, kidx, dst3, zeros):
    f = pl.kernel(
        _sc_body,
        out_type=jax.ShapeDtypeStruct((2 * N, C), jnp.float32),
        mesh=plsc.VectorSubcoreMesh(core_axis_name="c", subcore_axis_name="s"),
        scratch_types=[
            pltpu.VMEM((SB,), jnp.int32),
            pltpu.VMEM((SB,), jnp.int32),
            pltpu.VMEM((ET,), jnp.int32),
            pltpu.VMEM((NCH, CH), jnp.int32),
            pltpu.VMEM((2, CH, C), jnp.float32),
            pltpu.VMEM_SHARED((N, C), jnp.float32),
            pltpu.SemaphoreType.DMA((4,)),
        ],
    )
    return f(xw, src, kidx, dst3, zeros)


BS = 2000
NBS = N // BS


def _bnfused_body(pa_ref, pb_ref, g_ref, b_ref, out_ref, st_ref):
    i = pl.program_id(0)

    @pl.when(i < NBS)
    def _():
        f = pa_ref[...] + pb_ref[...]
        s1 = jnp.sum(f, axis=0, keepdims=True)
        s2 = jnp.sum(f * f, axis=0, keepdims=True)
        blk = jnp.concatenate([s1, s2], axis=0)

        @pl.when(i == 0)
        def _():
            st_ref[...] = blk

        @pl.when(i > 0)
        def _():
            st_ref[...] += blk

    @pl.when(i >= NBS)
    def _():
        f = pa_ref[...] + pb_ref[...]
        mean = st_ref[0:1, :] * (1.0 / N)
        ex2 = st_ref[1:2, :] * (1.0 / N)
        var = ex2 - mean * mean
        scale = g_ref[...] * lax.rsqrt(var + EPS)
        out_ref[...] = jnp.maximum((f - mean) * scale + b_ref[...], 0.0)


def _bn(partials, gamma, beta):
    half = lambda i: jnp.where(i < NBS, i, i - jnp.int32(NBS))
    return pl.pallas_call(
        _bnfused_body,
        grid=(2 * NBS,),
        in_specs=[
            pl.BlockSpec((BS, C), lambda i: (half(i), _i0())),
            pl.BlockSpec((BS, C), lambda i: (jnp.int32(NBS) + half(i), _i0())),
            pl.BlockSpec((1, C), lambda i: (_i0(), _i0())),
            pl.BlockSpec((1, C), lambda i: (_i0(), _i0())),
        ],
        out_specs=pl.BlockSpec((BS, C), lambda i: (half(i), _i0())),
        out_shape=jax.ShapeDtypeStruct((N, C), jnp.float32),
        scratch_shapes=[pltpu.VMEM((2, C), jnp.float32)],
    )(partials, partials, gamma, beta)


def kernel(x, edge_index, kernel_idx, W, gamma, beta):
    x = x.astype(jnp.float32)
    W = W.astype(jnp.float32)
    src = edge_index[0].astype(jnp.int32)
    dst = edge_index[1].astype(jnp.int32)
    kidx = kernel_idx.astype(jnp.int32)
    dst3 = dst.reshape(NW, NCH, CH)
    zeros = jnp.zeros((CH, C), jnp.float32)

    xw = _compute_xw(x, W)
    partials = _sc_gather_scatter(xw, src, kidx, dst3, zeros)
    return _bn(partials,
               gamma.astype(jnp.float32).reshape(1, C),
               beta.astype(jnp.float32).reshape(1, C))

# --- scband reference (transcript-rebuilt; emitter-appended) ---
"""Pipeline reference for scband-sparse-conv-block-7035156431607 (READ-ONLY COPY).

The authoritative reference and input builder live on the scoring server;
editing this copy changes nothing except your own understanding.
"""

import jax, jax.numpy as jnp
import numpy as np
jax.config.update('jax_enable_x64', True)

N = 10000
E = 320000
C_IN = 128
C_OUT = 128
K = 27  # 3x3x3 kernel offsets for SubMConv3d
EPS = 1e-5


def setup_inputs(seed: int = 0) -> dict:
    key = jax.random.key(seed)
    k1, k2, k3, k4 = jax.random.split(key, 4)
    x = jax.random.normal(k1, (N, C_IN), dtype=jnp.float32)
    edge_index = jax.random.randint(k2, (2, E), 0, N, dtype=jnp.int64)
    kernel_idx = jax.random.randint(k3, (E,), 0, K, dtype=jnp.int64)
    # learned params: per-kernel-offset conv weights (bias=False), BN affine
    W = jax.random.normal(k4, (K, C_IN, C_OUT), dtype=jnp.float32) * (1.0 / np.sqrt(C_IN * K))
    gamma = jnp.ones((C_OUT,), dtype=jnp.float32)
    beta = jnp.zeros((C_OUT,), dtype=jnp.float32)
    return {'x': x, 'edge_index': edge_index, 'kernel_idx': kernel_idx, 'W': W, 'gamma': gamma, 'beta': beta}


def reference(x, edge_index, kernel_idx, W, gamma, beta):
    # Submanifold sparse conv as gather -> per-offset linear -> scatter-add.
    src = edge_index[0]
    dst = edge_index[1]
    # Precompute per-offset transformed features once per voxel: [K, N, C_OUT]
    xw = jnp.einsum('nc,kco->kno', x, W)
    # Gather the transformed message for each (offset, src) pair: [E, C_OUT]
    msgs = xw[kernel_idx, src]
    # Scatter-add into destination voxels
    feats = jnp.zeros((N, C_OUT), dtype=x.dtype).at[dst].add(msgs)
    # BatchNorm1d over the sparse feature rows (training-mode batch stats)
    mean = jnp.mean(feats, axis=0)
    var = jnp.var(feats, axis=0)
    normed = (feats - mean) * jax.lax.rsqrt(var + EPS) * gamma + beta
    # ReLU
    return jax.nn.relu(normed)

if __name__ == "__main__":
    import jax
    _d = setup_inputs()
    print(jax.jit(kernel)(*tuple(_d.values())))

</pallas_src>

<mosaic_0001>
#map = affine_map<(d0, d1) -> (0, 0)>
#map1 = affine_map<(d0, d1) -> (0)>
#map2 = affine_map<(d0, d1) -> (0, 0, 0)>
module attributes {stable_mosaic.version = 14 : i64} {
  func.func @_sc_body(%arg0: i32, %arg1: i32, %arg2: memref<270000x128xf32, #tpu.memory_space<hbm>>, %arg3: memref<320000xi32, #tpu.memory_space<hbm>>, %arg4: memref<320000xi32, #tpu.memory_space<hbm>>, %arg5: memref<32x125x80xi32, #tpu.memory_space<hbm>>, %arg6: memref<80x128xf32, #tpu.memory_space<hbm>>, %arg7: memref<20000x128xf32, #tpu.memory_space<hbm>>, %arg8: memref<400xi32, #tpu.memory_space<vmem>>, %arg9: memref<400xi32, #tpu.memory_space<vmem>>, %arg10: memref<10000xi32, #tpu.memory_space<vmem>>, %arg11: memref<125x80xi32, #tpu.memory_space<vmem>>, %arg12: memref<2x80x128xf32, #tpu.memory_space<vmem>>, %arg13: memref<10000x128xf32, #tpu.memory_space<vmem_shared>>, %arg14: memref<4x!tpu.dma_semaphore, #tpu.memory_space<semaphore_mem>>) attributes {dimension_semantics = [#tpu.dimension_semantics<core_parallel>, #tpu.dimension_semantics<subcore_parallel>], iteration_bounds = array<i64: 2, 16>, scalar_prefetch = 0 : i64, scratch_operands = 7 : i64, tpu.core_type = #tpu.core_type<sc_vector_subcore>, window_params = [{transform_indices = #map}, {transform_indices = #map1}, {transform_indices = #map1}, {transform_indices = #map2}, {transform_indices = #map}, {transform_indices = #map}]} {
    %mul3A = arith.constant 16 : i32
    %mul3A_0 = arith.muli %arg0, %mul3A : i32
    %add3A = arith.addi %mul3A_0, %arg1 : i32
    %mul3A_1 = arith.constant 10000 : i32
    %mul3A_2 = arith.muli %add3A, %mul3A_1 : i32
    "tpu.region"() ({
      %run_scoped3A_120 = tpu.sem_alloc : memref<!tpu.dma_semaphore, #tpu.memory_space<semaphore_mem>>
      %dma_start3A_121 = arith.constant 0 : i32
      %dma_start3A_122 = arith.constant 0 : i32
      %dma_start3A_123 = tpu.memref_slice %arg5[%add3A, %dma_start3A_121, %dma_start3A_122] : memref<32x125x80xi32, #tpu.memory_space<hbm>> -> memref<1x125x80xi32, #tpu.memory_space<hbm>>
      %dma_start3A_124 = tpu.memref_squeeze %dma_start3A_123 : memref<1x125x80xi32, #tpu.memory_space<hbm>> -> memref<125x80xi32, #tpu.memory_space<hbm>>
      %dma_start3A_125 = arith.constant 0 : i32
      %dma_start3A_126 = arith.constant 0 : i32
      %dma_start3A_127 = tpu.memref_slice %arg5[%add3A, %dma_start3A_125, %dma_start3A_126] : memref<32x125x80xi32, #tpu.memory_space<hbm>> -> memref<1x125x80xi32, #tpu.memory_space<hbm>>
      %dma_start3A_128 = tpu.memref_squeeze %dma_start3A_127 : memref<1x125x80xi32, #tpu.memory_space<hbm>> -> memref<125x80xi32, #tpu.memory_space<hbm>>
      tpu.enqueue_dma source(%dma_start3A_128 : memref<125x80xi32, #tpu.memory_space<hbm>>) target(%arg11 : memref<125x80xi32, #tpu.memory_space<vmem>>) target_semaphore(%run_scoped3A_120 : memref<!tpu.dma_semaphore, #tpu.memory_space<semaphore_mem>>)
      %dma_wait3A_129 = arith.constant 0 : i32
      %dma_wait3A_130 = arith.constant 0 : i32
      %dma_wait3A_131 = tpu.memref_slice %arg5[%add3A, %dma_wait3A_129, %dma_wait3A_130] : memref<32x125x80xi32, #tpu.memory_space<hbm>> -> memref<1x125x80xi32, #tpu.memory_space<hbm>>
      %dma_wait3A_132 = tpu.memref_squeeze %dma_wait3A_131 : memref<1x125x80xi32, #tpu.memory_space<hbm>> -> memref<125x80xi32, #tpu.memory_space<hbm>>
      %dma_wait3A_133 = arith.constant 0 : i32
      %dma_wait3A_134 = arith.constant 0 : i32
      %dma_wait3A_135 = tpu.memref_slice %arg5[%add3A, %dma_wait3A_133, %dma_wait3A_134] : memref<32x125x80xi32, #tpu.memory_space<hbm>> -> memref<1x125x80xi32, #tpu.memory_space<hbm>>
      %dma_wait3A_136 = tpu.memref_squeeze %dma_wait3A_135 : memref<1x125x80xi32, #tpu.memory_space<hbm>> -> memref<125x80xi32, #tpu.memory_space<hbm>>
      tpu.wait_dma2 semaphore(%run_scoped3A_120 : memref<!tpu.dma_semaphore, #tpu.memory_space<semaphore_mem>>) src(%dma_wait3A_136 : memref<125x80xi32, #tpu.memory_space<hbm>>) dst(%arg11 : memref<125x80xi32, #tpu.memory_space<vmem>>)
      tpu.yield
    }) : () -> ()
    %mul3A_3 = arith.constant 624 : i32
    %mul3A_4 = arith.muli %arg1, %mul3A_3 : i32
    %run_scoped3A = arith.constant 0 : i32
    "tpu.region"() ({
      %run_scoped3A_120 = tpu.sem_alloc : memref<!tpu.dma_semaphore, #tpu.memory_space<semaphore_mem>>
      %dma_start3A_121 = arith.constant 0 : i32
      %dma_start3A_122 = arith.constant 0 : i32
      %dma_start3A_123 = tpu.memref_slice %arg12[%run_scoped3A, %dma_start3A_121, %dma_start3A_122] : memref<2x80x128xf32, #tpu.memory_space<vmem>> -> memref<1x80x128xf32, #tpu.memory_space<vmem>>
      %dma_start3A_124 = tpu.memref_squeeze %dma_start3A_123 : memref<1x80x128xf32, #tpu.memory_space<vmem>> -> memref<80x128xf32, #tpu.memory_space<vmem>>
      %dma_start3A_125 = arith.constant 0 : i32
      %dma_start3A_126 = arith.constant 0 : i32
      %dma_start3A_127 = tpu.memref_slice %arg12[%run_scoped3A, %dma_start3A_125, %dma_start3A_126] : memref<2x80x128xf32, #tpu.memory_space<vmem>> -> memref<1x80x128xf32, #tpu.memory_space<vmem>>
      %dma_start3A_128 = tpu.memref_squeeze %dma_start3A_127 : memref<1x80x128xf32, #tpu.memory_space<vmem>> -> memref<80x128xf32, #tpu.memory_space<vmem>>
      tpu.enqueue_dma source(%arg6 : memref<80x128xf32, #tpu.memory_space<hbm>>) target(%dma_start3A_128 : memref<80x128xf32, #tpu.memory_space<vmem>>) target_semaphore(%run_scoped3A_120 : memref<!tpu.dma_semaphore, #tpu.memory_space<semaphore_mem>>)
      %dma_wait3A_129 = arith.constant 0 : i32
      %dma_wait3A_130 = arith.constant 0 : i32
      %dma_wait3A_131 = tpu.memref_slice %arg12[%run_scoped3A, %dma_wait3A_129, %dma_wait3A_130] : memref<2x80x128xf32, #tpu.memory_space<vmem>> -> memref<1x80x128xf32, #tpu.memory_space<vmem>>
      %dma_wait3A_132 = tpu.memref_squeeze %dma_wait3A_131 : memref<1x80x128xf32, #tpu.memory_space<vmem>> -> memref<80x128xf32, #tpu.memory_space<vmem>>
      %dma_wait3A_133 = arith.constant 0 : i32
      %dma_wait3A_134 = arith.constant 0 : i32
      %dma_wait3A_135 = tpu.memref_slice %arg12[%run_scoped3A, %dma_wait3A_133, %dma_wait3A_134] : memref<2x80x128xf32, #tpu.memory_space<vmem>> -> memref<1x80x128xf32, #tpu.memory_space<vmem>>
      %dma_wait3A_136 = tpu.memref_squeeze %dma_wait3A_135 : memref<1x80x128xf32, #tpu.memory_space<vmem>> -> memref<80x128xf32, #tpu.memory_space<vmem>>
      tpu.wait_dma2 semaphore(%run_scoped3A_120 : memref<!tpu.dma_semaphore, #tpu.memory_space<semaphore_mem>>) src(%arg6 : memref<80x128xf32, #tpu.memory_space<hbm>>) dst(%dma_wait3A_136 : memref<80x128xf32, #tpu.memory_space<vmem>>)
      tpu.yield
    }) : () -> ()
    %add3A_5 = arith.constant 0 : i32
    %add3A_6 = arith.addi %mul3A_4, %add3A_5 : i32
    %run_scoped3A_7 = arith.constant 0 : i32
    "tpu.region"() ({
      %run_scoped3A_120 = tpu.sem_alloc : memref<!tpu.dma_semaphore, #tpu.memory_space<semaphore_mem>>
      %dma_start3A_121 = arith.constant 0 : i32
      %dma_start3A_122 = arith.constant 0 : i32
      %dma_start3A_123 = tpu.memref_slice %arg12[%run_scoped3A_7, %dma_start3A_121, %dma_start3A_122] : memref<2x80x128xf32, #tpu.memory_space<vmem>> -> memref<1x80x128xf32, #tpu.memory_space<vmem>>
      %dma_start3A_124 = tpu.memref_squeeze %dma_start3A_123 : memref<1x80x128xf32, #tpu.memory_space<vmem>> -> memref<80x128xf32, #tpu.memory_space<vmem>>
      %dma_start3A_125 = arith.constant 0 : i32
      %dma_start3A_126 = tpu.memref_slice %arg13[%add3A_6, %dma_start3A_125] : memref<10000x128xf32, #tpu.memory_space<vmem_shared>> -> memref<80x128xf32, #tpu.memory_space<vmem_shared>>
      %dma_start3A_127 = arith.constant 0 : i32
      %dma_start3A_128 = tpu.memref_slice %arg13[%add3A_6, %dma_start3A_127] : memref<10000x128xf32, #tpu.memory_space<vmem_shared>> -> memref<80x128xf32, #tpu.memory_space<vmem_shared>>
      %dma_start3A_129 = arith.constant 0 : i32
      %dma_start3A_130 = arith.constant 0 : i32
      %dma_start3A_131 = tpu.memref_slice %arg12[%run_scoped3A_7, %dma_start3A_129, %dma_start3A_130] : memref<2x80x128xf32, #tpu.memory_space<vmem>> -> memref<1x80x128xf32, #tpu.memory_space<vmem>>
      %dma_start3A_132 = tpu.memref_squeeze %dma_start3A_131 : memref<1x80x128xf32, #tpu.memory_space<vmem>> -> memref<80x128xf32, #tpu.memory_space<vmem>>
      tpu.enqueue_dma source(%dma_start3A_132 : memref<80x128xf32, #tpu.memory_space<vmem>>) target(%dma_start3A_128 : memref<80x128xf32, #tpu.memory_space<vmem_shared>>) target_semaphore(%run_scoped3A_120 : memref<!tpu.dma_semaphore, #tpu.memory_space<semaphore_mem>>)
      %dma_wait3A_133 = arith.constant 0 : i32
      %dma_wait3A_134 = arith.constant 0 : i32
      %dma_wait3A_135 = tpu.memref_slice %arg12[%run_scoped3A_7, %dma_wait3A_133, %dma_wait3A_134] : memref<2x80x128xf32, #tpu.memory_space<vmem>> -> memref<1x80x128xf32, #tpu.memory_space<vmem>>
      %dma_wait3A_136 = tpu.memref_squeeze %dma_wait3A_135 : memref<1x80x128xf32, #tpu.memory_space<vmem>> -> memref<80x128xf32, #tpu.memory_space<vmem>>
      %dma_wait3A_137 = arith.constant 0 : i32
      %dma_wait3A_138 = tpu.memref_slice %arg13[%add3A_6, %dma_wait3A_137] : memref<10000x128xf32, #tpu.memory_space<vmem_shared>> -> memref<80x128xf32, #tpu.memory_space<vmem_shared>>
      %dma_wait3A_139 = arith.constant 0 : i32
      %dma_wait3A_140 = tpu.memref_slice %arg13[%add3A_6, %dma_wait3A_139] : memref<10000x128xf32, #tpu.memory_space<vmem_shared>> -> memref<80x128xf32, #tpu.memory_space<vmem_shared>>
      %dma_wait3A_141 = arith.constant 0 : i32
      %dma_wait3A_142 = arith.constant 0 : i32
      %dma_wait3A_143 = tpu.memref_slice %arg12[%run_scoped3A_7, %dma_wait3A_141, %dma_wait3A_142] : memref<2x80x128xf32, #tpu.memory_space<vmem>> -> memref<1x80x128xf32, #tpu.memory_space<vmem>>
      %dma_wait3A_144 = tpu.memref_squeeze %dma_wait3A_143 : memref<1x80x128xf32, #tpu.memory_space<vmem>> -> memref<80x128xf32, #tpu.memory_space<vmem>>
      tpu.wait_dma2 semaphore(%run_scoped3A_120 : memref<!tpu.dma_semaphore, #tpu.memory_space<semaphore_mem>>) src(%dma_wait3A_144 : memref<80x128xf32, #tpu.memory_space<vmem>>) dst(%dma_wait3A_140 : memref<80x128xf32, #tpu.memory_space<vmem_shared>>)
      tpu.yield
    }) : () -> ()
    %add3A_8 = arith.constant 80 : i32
    %add3A_9 = arith.addi %mul3A_4, %add3A_8 : i32
    %run_scoped3A_10 = arith.constant 0 : i32
    "tpu.region"() ({
      %run_scoped3A_120 = tpu.sem_alloc : memref<!tpu.dma_semaphore, #tpu.memory_space<semaphore_mem>>
      %dma_start3A_121 = arith.constant 0 : i32
      %dma_start3A_122 = arith.constant 0 : i32
      %dma_start3A_123 = tpu.memref_slice %arg12[%run_scoped3A_10, %dma_start3A_121, %dma_start3A_122] : memref<2x80x128xf32, #tpu.memory_space<vmem>> -> memref<1x80x128xf32, #tpu.memory_space<vmem>>
      %dma_start3A_124 = tpu.memref_squeeze %dma_start3A_123 : memref<1x80x128xf32, #tpu.memory_space<vmem>> -> memref<80x128xf32, #tpu.memory_space<vmem>>
      %dma_start3A_125 = arith.constant 0 : i32
      %dma_start3A_126 = tpu.memref_slice %arg13[%add3A_9, %dma_start3A_125] : memref<10000x128xf32, #tpu.memory_space<vmem_shared>> -> memref<80x128xf32, #tpu.memory_space<vmem_shared>>
      %dma_start3A_127 = arith.constant 0 : i32
      %dma_start3A_128 = tpu.memref_slice %arg13[%add3A_9, %dma_start3A_127] : memref<10000x128xf32, #tpu.memory_space<vmem_shared>> -> memref<80x128xf32, #tpu.memory_space<vmem_shared>>
      %dma_start3A_129 = arith.constant 0 : i32
      %dma_start3A_130 = arith.constant 0 : i32
      %dma_start3A_131 = tpu.memref_slice %arg12[%run_scoped3A_10, %dma_start3A_129, %dma_start3A_130] : memref<2x80x128xf32, #tpu.memory_space<vmem>> -> memref<1x80x128xf32, #tpu.memory_space<vmem>>
      %dma_start3A_132 = tpu.memref_squeeze %dma_start3A_131 : memref<1x80x128xf32, #tpu.memory_space<vmem>> -> memref<80x128xf32, #tpu.memory_space<vmem>>
      tpu.enqueue_dma source(%dma_start3A_132 : memref<80x128xf32, #tpu.memory_space<vmem>>) target(%dma_start3A_128 : memref<80x128xf32, #tpu.memory_space<vmem_shared>>) target_semaphore(%run_scoped3A_120 : memref<!tpu.dma_semaphore, #tpu.memory_space<semaphore_mem>>)
      %dma_wait3A_133 = arith.constant 0 : i32
      %dma_wait3A_134 = arith.constant 0 : i32
      %dma_wait3A_135 = tpu.memref_slice %arg12[%run_scoped3A_10, %dma_wait3A_133, %dma_wait3A_134] : memref<2x80x128xf32, #tpu.memory_space<vmem>> -> memref<1x80x128xf32, #tpu.memory_space<vmem>>
      %dma_wait3A_136 = tpu.memref_squeeze %dma_wait3A_135 : memref<1x80x128xf32, #tpu.memory_space<vmem>> -> memref<80x128xf32, #tpu.memory_space<vmem>>
      %dma_wait3A_137 = arith.constant 0 : i32
      %dma_wait3A_138 = tpu.memref_slice %arg13[%add3A_9, %dma_wait3A_137] : memref<10000x128xf32, #tpu.memory_space<vmem_shared>> -> memref<80x128xf32, #tpu.memory_space<vmem_shared>>
      %dma_wait3A_139 = arith.constant 0 : i32
      %dma_wait3A_140 = tpu.memref_slice %arg13[%add3A_9, %dma_wait3A_139] : memref<10000x128xf32, #tpu.memory_space<vmem_shared>> -> memref<80x128xf32, #tpu.memory_space<vmem_shared>>
      %dma_wait3A_141 = arith.constant 0 : i32
      %dma_wait3A_142 = arith.constant 0 : i32
      %dma_wait3A_143 = tpu.memref_slice %arg12[%run_scoped3A_10, %dma_wait3A_141, %dma_wait3A_142] : memref<2x80x128xf32, #tpu.memory_space<vmem>> -> memref<1x80x128xf32, #tpu.memory_space<vmem>>
      %dma_wait3A_144 = tpu.memref_squeeze %dma_wait3A_143 : memref<1x80x128xf32, #tpu.memory_space<vmem>> -> memref<80x128xf32, #tpu.memory_space<vmem>>
      tpu.wait_dma2 semaphore(%run_scoped3A_120 : memref<!tpu.dma_semaphore, #tpu.memory_space<semaphore_mem>>) src(%dma_wait3A_144 : memref<80x128xf32, #tpu.memory_space<vmem>>) dst(%dma_wait3A_140 : memref<80x128xf32, #tpu.memory_space<vmem_shared>>)
      tpu.yield
    }) : () -> ()
    %add3A_11 = arith.constant 160 : i32
    %add3A_12 = arith.addi %mul3A_4, %add3A_11 : i32
    %run_scoped3A_13 = arith.constant 0 : i32
    "tpu.region"() ({
      %run_scoped3A_120 = tpu.sem_alloc : memref<!tpu.dma_semaphore, #tpu.memory_space<semaphore_mem>>
      %dma_start3A_121 = arith.constant 0 : i32
      %dma_start3A_122 = arith.constant 0 : i32
      %dma_start3A_123 = tpu.memref_slice %arg12[%run_scoped3A_13, %dma_start3A_121, %dma_start3A_122] : memref<2x80x128xf32, #tpu.memory_space<vmem>> -> memref<1x80x128xf32, #tpu.memory_space<vmem>>
      %dma_start3A_124 = tpu.memref_squeeze %dma_start3A_123 : memref<1x80x128xf32, #tpu.memory_space<vmem>> -> memref<80x128xf32, #tpu.memory_space<vmem>>
      %dma_start3A_125 = arith.constant 0 : i32
      %dma_start3A_126 = tpu.memref_slice %arg13[%add3A_12, %dma_start3A_125] : memref<10000x128xf32, #tpu.memory_space<vmem_shared>> -> memref<80x128xf32, #tpu.memory_space<vmem_shared>>
      %dma_start3A_127 = arith.constant 0 : i32
      %dma_start3A_128 = tpu.memref_slice %arg13[%add3A_12, %dma_start3A_127] : memref<10000x128xf32, #tpu.memory_space<vmem_shared>> -> memref<80x128xf32, #tpu.memory_space<vmem_shared>>
      %dma_start3A_129 = arith.constant 0 : i32
      %dma_start3A_130 = arith.constant 0 : i32
      %dma_start3A_131 = tpu.memref_slice %arg12[%run_scoped3A_13, %dma_start3A_129, %dma_start3A_130] : memref<2x80x128xf32, #tpu.memory_space<vmem>> -> memref<1x80x128xf32, #tpu.memory_space<vmem>>
      %dma_start3A_132 = tpu.memref_squeeze %dma_start3A_131 : memref<1x80x128xf32, #tpu.memory_space<vmem>> -> memref<80x128xf32, #tpu.memory_space<vmem>>
      tpu.enqueue_dma source(%dma_start3A_132 : memref<80x128xf32, #tpu.memory_space<vmem>>) target(%dma_start3A_128 : memref<80x128xf32, #tpu.memory_space<vmem_shared>>) target_semaphore(%run_scoped3A_120 : memref<!tpu.dma_semaphore, #tpu.memory_space<semaphore_mem>>)
      %dma_wait3A_133 = arith.constant 0 : i32
      %dma_wait3A_134 = arith.constant 0 : i32
      %dma_wait3A_135 = tpu.memref_slice %arg12[%run_scoped3A_13, %dma_wait3A_133, %dma_wait3A_134] : memref<2x80x128xf32, #tpu.memory_space<vmem>> -> memref<1x80x128xf32, #tpu.memory_space<vmem>>
      %dma_wait3A_136 = tpu.memref_squeeze %dma_wait3A_135 : memref<1x80x128xf32, #tpu.memory_space<vmem>> -> memref<80x128xf32, #tpu.memory_space<vmem>>
      %dma_wait3A_137 = arith.constant 0 : i32
      %dma_wait3A_138 = tpu.memref_slice %arg13[%add3A_12, %dma_wait3A_137] : memref<10000x128xf32, #tpu.memory_space<vmem_shared>> -> memref<80x128xf32, #tpu.memory_space<vmem_shared>>
      %dma_wait3A_139 = arith.constant 0 : i32
      %dma_wait3A_140 = tpu.memref_slice %arg13[%add3A_12, %dma_wait3A_139] : memref<10000x128xf32, #tpu.memory_space<vmem_shared>> -> memref<80x128xf32, #tpu.memory_space<vmem_shared>>
      %dma_wait3A_141 = arith.constant 0 : i32
      %dma_wait3A_142 = arith.constant 0 : i32
      %dma_wait3A_143 = tpu.memref_slice %arg12[%run_scoped3A_13, %dma_wait3A_141, %dma_wait3A_142] : memref<2x80x128xf32, #tpu.memory_space<vmem>> -> memref<1x80x128xf32, #tpu.memory_space<vmem>>
      %dma_wait3A_144 = tpu.memref_squeeze %dma_wait3A_143 : memref<1x80x128xf32, #tpu.memory_space<vmem>> -> memref<80x128xf32, #tpu.memory_space<vmem>>
      tpu.wait_dma2 semaphore(%run_scoped3A_120 : memref<!tpu.dma_semaphore, #tpu.memory_space<semaphore_mem>>) src(%dma_wait3A_144 : memref<80x128xf32, #tpu.memory_space<vmem>>) dst(%dma_wait3A_140 : memref<80x128xf32, #tpu.memory_space<vmem_shared>>)
      tpu.yield
    }) : () -> ()
    %add3A_14 = arith.constant 240 : i32
    %add3A_15 = arith.addi %mul3A_4, %add3A_14 : i32
    %run_scoped3A_16 = arith.constant 0 : i32
    "tpu.region"() ({
      %run_scoped3A_120 = tpu.sem_alloc : memref<!tpu.dma_semaphore, #tpu.memory_space<semaphore_mem>>
      %dma_start3A_121 = arith.constant 0 : i32
      %dma_start3A_122 = arith.constant 0 : i32
      %dma_start3A_123 = tpu.memref_slice %arg12[%run_scoped3A_16, %dma_start3A_121, %dma_start3A_122] : memref<2x80x128xf32, #tpu.memory_space<vmem>> -> memref<1x80x128xf32, #tpu.memory_space<vmem>>
      %dma_start3A_124 = tpu.memref_squeeze %dma_start3A_123 : memref<1x80x128xf32, #tpu.memory_space<vmem>> -> memref<80x128xf32, #tpu.memory_space<vmem>>
      %dma_start3A_125 = arith.constant 0 : i32
      %dma_start3A_126 = tpu.memref_slice %arg13[%add3A_15, %dma_start3A_125] : memref<10000x128xf32, #tpu.memory_space<vmem_shared>> -> memref<80x128xf32, #tpu.memory_space<vmem_shared>>
      %dma_start3A_127 = arith.constant 0 : i32
      %dma_start3A_128 = tpu.memref_slice %arg13[%add3A_15, %dma_start3A_127] : memref<10000x128xf32, #tpu.memory_space<vmem_shared>> -> memref<80x128xf32, #tpu.memory_space<vmem_shared>>
      %dma_start3A_129 = arith.constant 0 : i32
      %dma_start3A_130 = arith.constant 0 : i32
      %dma_start3A_131 = tpu.memref_slice %arg12[%run_scoped3A_16, %dma_start3A_129, %dma_start3A_130] : memref<2x80x128xf32, #tpu.memory_space<vmem>> -> memref<1x80x128xf32, #tpu.memory_space<vmem>>
      %dma_start3A_132 = tpu.memref_squeeze %dma_start3A_131 : memref<1x80x128xf32, #tpu.memory_space<vmem>> -> memref<80x128xf32, #tpu.memory_space<vmem>>
      tpu.enqueue_dma source(%dma_start3A_132 : memref<80x128xf32, #tpu.memory_space<vmem>>) target(%dma_start3A_128 : memref<80x128xf32, #tpu.memory_space<vmem_shared>>) target_semaphore(%run_scoped3A_120 : memref<!tpu.dma_semaphore, #tpu.memory_space<semaphore_mem>>)
      %dma_wait3A_133 = arith.constant 0 : i32
      %dma_wait3A_134 = arith.constant 0 : i32
      %dma_wait3A_135 = tpu.memref_slice %arg12[%run_scoped3A_16, %dma_wait3A_133, %dma_wait3A_134] : memref<2x80x128xf32, #tpu.memory_space<vmem>> -> memref<1x80x128xf32, #tpu.memory_space<vmem>>
      %dma_wait3A_136 = tpu.memref_squeeze %dma_wait3A_135 : memref<1x80x128xf32, #tpu.memory_space<vmem>> -> memref<80x128xf32, #tpu.memory_space<vmem>>
      %dma_wait3A_137 = arith.constant 0 : i32
      %dma_wait3A_138 = tpu.memref_slice %arg13[%add3A_15, %dma_wait3A_137] : memref<10000x128xf32, #tpu.memory_space<vmem_shared>> -> memref<80x128xf32, #tpu.memory_space<vmem_shared>>
      %dma_wait3A_139 = arith.constant 0 : i32
      %dma_wait3A_140 = tpu.memref_slice %arg13[%add3A_15, %dma_wait3A_139] : memref<10000x128xf32, #tpu.memory_space<vmem_shared>> -> memref<80x128xf32, #tpu.memory_space<vmem_shared>>
      %dma_wait3A_141 = arith.constant 0 : i32
      %dma_wait3A_142 = arith.constant 0 : i32
      %dma_wait3A_143 = tpu.memref_slice %arg12[%run_scoped3A_16, %dma_wait3A_141, %dma_wait3A_142] : memref<2x80x128xf32, #tpu.memory_space<vmem>> -> memref<1x80x128xf32, #tpu.memory_space<vmem>>
      %dma_wait3A_144 = tpu.memref_squeeze %dma_wait3A_143 : memref<1x80x128xf32, #tpu.memory_space<vmem>> -> memref<80x128xf32, #tpu.memory_space<vmem>>
      tpu.wait_dma2 semaphore(%run_scoped3A_120 : memref<!tpu.dma_semaphore, #tpu.memory_space<semaphore_mem>>) src(%dma_wait3A_144 : memref<80x128xf32, #tpu.memory_space<vmem>>) dst(%dma_wait3A_140 : memref<80x128xf32, #tpu.memory_space<vmem_shared>>)
      tpu.yield
    }) : () -> ()
    %add3A_17 = arith.constant 320 : i32
    %add3A_18 = arith.addi %mul3A_4, %add3A_17 : i32
    %run_scoped3A_19 = arith.constant 0 : i32
    "tpu.region"() ({
      %run_scoped3A_120 = tpu.sem_alloc : memref<!tpu.dma_semaphore, #tpu.memory_space<semaphore_mem>>
      %dma_start3A_121 = arith.constant 0 : i32
      %dma_start3A_122 = arith.constant 0 : i32
      %dma_start3A_123 = tpu.memref_slice %arg12[%run_scoped3A_19, %dma_start3A_121, %dma_start3A_122] : memref<2x80x128xf32, #tpu.memory_space<vmem>> -> memref<1x80x128xf32, #tpu.memory_space<vmem>>
      %dma_start3A_124 = tpu.memref_squeeze %dma_start3A_123 : memref<1x80x128xf32, #tpu.memory_space<vmem>> -> memref<80x128xf32, #tpu.memory_space<vmem>>
      %dma_start3A_125 = arith.constant 0 : i32
      %dma_start3A_126 = tpu.memref_slice %arg13[%add3A_18, %dma_start3A_125] : memref<10000x128xf32, #tpu.memory_space<vmem_shared>> -> memref<80x128xf32, #tpu.memory_space<vmem_shared>>
      %dma_start3A_127 = arith.constant 0 : i32
      %dma_start3A_128 = tpu.memref_slice %arg13[%add3A_18, %dma_start3A_127] : memref<10000x128xf32, #tpu.memory_space<vmem_shared>> -> memref<80x128xf32, #tpu.memory_space<vmem_shared>>
      %dma_start3A_129 = arith.constant 0 : i32
      %dma_start3A_130 = arith.constant 0 : i32
      %dma_start3A_131 = tpu.memref_slice %arg12[%run_scoped3A_19, %dma_start3A_129, %dma_start3A_130] : memref<2x80x128xf32, #tpu.memory_space<vmem>> -> memref<1x80x128xf32, #tpu.memory_space<vmem>>
      %dma_start3A_132 = tpu.memref_squeeze %dma_start3A_131 : memref<1x80x128xf32, #tpu.memory_space<vmem>> -> memref<80x128xf32, #tpu.memory_space<vmem>>
      tpu.enqueue_dma source(%dma_start3A_132 : memref<80x128xf32, #tpu.memory_space<vmem>>) target(%dma_start3A_128 : memref<80x128xf32, #tpu.memory_space<vmem_shared>>) target_semaphore(%run_scoped3A_120 : memref<!tpu.dma_semaphore, #tpu.memory_space<semaphore_mem>>)
      %dma_wait3A_133 = arith.constant 0 : i32
      %dma_wait3A_134 = arith.constant 0 : i32
      %dma_wait3A_135 = tpu.memref_slice %arg12[%run_scoped3A_19, %dma_wait3A_133, %dma_wait3A_134] : memref<2x80x128xf32, #tpu.memory_space<vmem>> -> memref<1x80x128xf32, #tpu.memory_space<vmem>>
      %dma_wait3A_136 = tpu.memref_squeeze %dma_wait3A_135 : memref<1x80x128xf32, #tpu.memory_space<vmem>> -> memref<80x128xf32, #tpu.memory_space<vmem>>
      %dma_wait3A_137 = arith.constant 0 : i32
      %dma_wait3A_138 = tpu.memref_slice %arg13[%add3A_18, %dma_wait3A_137] : memref<10000x128xf32, #tpu.memory_space<vmem_shared>> -> memref<80x128xf32, #tpu.memory_space<vmem_shared>>
      %dma_wait3A_139 = arith.constant 0 : i32
      %dma_wait3A_140 = tpu.memref_slice %arg13[%add3A_18, %dma_wait3A_139] : memref<10000x128xf32, #tpu.memory_space<vmem_shared>> -> memref<80x128xf32, #tpu.memory_space<vmem_shared>>
      %dma_wait3A_141 = arith.constant 0 : i32
      %dma_wait3A_142 = arith.constant 0 : i32
      %dma_wait3A_143 = tpu.memref_slice %arg12[%run_scoped3A_19, %dma_wait3A_141, %dma_wait3A_142] : memref<2x80x128xf32, #tpu.memory_space<vmem>> -> memref<1x80x128xf32, #tpu.memory_space<vmem>>
      %dma_wait3A_144 = tpu.memref_squeeze %dma_wait3A_143 : memref<1x80x128xf32, #tpu.memory_space<vmem>> -> memref<80x128xf32, #tpu.memory_space<vmem>>
      tpu.wait_dma2 semaphore(%run_scoped3A_120 : memref<!tpu.dma_semaphore, #tpu.memory_space<semaphore_mem>>) src(%dma_wait3A_144 : memref<80x128xf32, #tpu.memory_space<vmem>>) dst(%dma_wait3A_140 : memref<80x128xf32, #tpu.memory_space<vmem_shared>>)
      tpu.yield
    }) : () -> ()
    %add3A_20 = arith.constant 400 : i32
    %add3A_21 = arith.addi %mul3A_4, %add3A_20 : i32
    %run_scoped3A_22 = arith.constant 0 : i32
    "tpu.region"() ({
      %run_scoped3A_120 = tpu.sem_alloc : memref<!tpu.dma_semaphore, #tpu.memory_space<semaphore_mem>>
      %dma_start3A_121 = arith.constant 0 : i32
      %dma_start3A_122 = arith.constant 0 : i32
      %dma_start3A_123 = tpu.memref_slice %arg12[%run_scoped3A_22, %dma_start3A_121, %dma_start3A_122] : memref<2x80x128xf32, #tpu.memory_space<vmem>> -> memref<1x80x128xf32, #tpu.memory_space<vmem>>
      %dma_start3A_124 = tpu.memref_squeeze %dma_start3A_123 : memref<1x80x128xf32, #tpu.memory_space<vmem>> -> memref<80x128xf32, #tpu.memory_space<vmem>>
      %dma_start3A_125 = arith.constant 0 : i32
      %dma_start3A_126 = tpu.memref_slice %arg13[%add3A_21, %dma_start3A_125] : memref<10000x128xf32, #tpu.memory_space<vmem_shared>> -> memref<80x128xf32, #tpu.memory_space<vmem_shared>>
      %dma_start3A_127 = arith.constant 0 : i32
      %dma_start3A_128 = tpu.memref_slice %arg13[%add3A_21, %dma_start3A_127] : memref<10000x128xf32, #tpu.memory_space<vmem_shared>> -> memref<80x128xf32, #tpu.memory_space<vmem_shared>>
      %dma_start3A_129 = arith.constant 0 : i32
      %dma_start3A_130 = arith.constant 0 : i32
      %dma_start3A_131 = tpu.memref_slice %arg12[%run_scoped3A_22, %dma_start3A_129, %dma_start3A_130] : memref<2x80x128xf32, #tpu.memory_space<vmem>> -> memref<1x80x128xf32, #tpu.memory_space<vmem>>
      %dma_start3A_132 = tpu.memref_squeeze %dma_start3A_131 : memref<1x80x128xf32, #tpu.memory_space<vmem>> -> memref<80x128xf32, #tpu.memory_space<vmem>>
      tpu.enqueue_dma source(%dma_start3A_132 : memref<80x128xf32, #tpu.memory_space<vmem>>) target(%dma_start3A_128 : memref<80x128xf32, #tpu.memory_space<vmem_shared>>) target_semaphore(%run_scoped3A_120 : memref<!tpu.dma_semaphore, #tpu.memory_space<semaphore_mem>>)
      %dma_wait3A_133 = arith.constant 0 : i32
      %dma_wait3A_134 = arith.constant 0 : i32
      %dma_wait3A_135 = tpu.memref_slice %arg12[%run_scoped3A_22, %dma_wait3A_133, %dma_wait3A_134] : memref<2x80x128xf32, #tpu.memory_space<vmem>> -> memref<1x80x128xf32, #tpu.memory_space<vmem>>
      %dma_wait3A_136 = tpu.memref_squeeze %dma_wait3A_135 : memref<1x80x128xf32, #tpu.memory_space<vmem>> -> memref<80x128xf32, #tpu.memory_space<vmem>>
      %dma_wait3A_137 = arith.constant 0 : i32
      %dma_wait3A_138 = tpu.memref_slice %arg13[%add3A_21, %dma_wait3A_137] : memref<10000x128xf32, #tpu.memory_space<vmem_shared>> -> memref<80x128xf32, #tpu.memory_space<vmem_shared>>
      %dma_wait3A_139 = arith.constant 0 : i32
      %dma_wait3A_140 = tpu.memref_slice %arg13[%add3A_21, %dma_wait3A_139] : memref<10000x128xf32, #tpu.memory_space<vmem_shared>> -> memref<80x128xf32, #tpu.memory_space<vmem_shared>>
      %dma_wait3A_141 = arith.constant 0 : i32
      %dma_wait3A_142 = arith.constant 0 : i32
      %dma_wait3A_143 = tpu.memref_slice %arg12[%run_scoped3A_22, %dma_wait3A_141, %dma_wait3A_142] : memref<2x80x128xf32, #tpu.memory_space<vmem>> -> memref<1x80x128xf32, #tpu.memory_space<vmem>>
      %dma_wait3A_144 = tpu.memref_squeeze %dma_wait3A_143 : memref<1x80x128xf32, #tpu.memory_space<vmem>> -> memref<80x128xf32, #tpu.memory_space<vmem>>
      tpu.wait_dma2 semaphore(%run_scoped3A_120 : memref<!tpu.dma_semaphore, #tpu.memory_space<semaphore_mem>>) src(%dma_wait3A_144 : memref<80x128xf32, #tpu.memory_space<vmem>>) dst(%dma_wait3A_140 : memref<80x128xf32, #tpu.memory_space<vmem_shared>>)
      tpu.yield
    }) : () -> ()
    %add3A_23 = arith.constant 480 : i32
    %add3A_24 = arith.addi %mul3A_4, %add3A_23 : i32
    %run_scoped3A_25 = arith.constant 0 : i32
    "tpu.region"() ({
      %run_scoped3A_120 = tpu.sem_alloc : memref<!tpu.dma_semaphore, #tpu.memory_space<semaphore_mem>>
      %dma_start3A_121 = arith.constant 0 : i32
      %dma_start3A_122 = arith.constant 0 : i32
      %dma_start3A_123 = tpu.memref_slice %arg12[%run_scoped3A_25, %dma_start3A_121, %dma_start3A_122] : memref<2x80x128xf32, #tpu.memory_space<vmem>> -> memref<1x80x128xf32, #tpu.memory_space<vmem>>
      %dma_start3A_124 = tpu.memref_squeeze %dma_start3A_123 : memref<1x80x128xf32, #tpu.memory_space<vmem>> -> memref<80x128xf32, #tpu.memory_space<vmem>>
      %dma_start3A_125 = arith.constant 0 : i32
      %dma_start3A_126 = tpu.memref_slice %arg13[%add3A_24, %dma_start3A_125] : memref<10000x128xf32, #tpu.memory_space<vmem_shared>> -> memref<80x128xf32, #tpu.memory_space<vmem_shared>>
      %dma_start3A_127 = arith.constant 0 : i32
      %dma_start3A_128 = tpu.memref_slice %arg13[%add3A_24, %dma_start3A_127] : memref<10000x128xf32, #tpu.memory_space<vmem_shared>> -> memref<80x128xf32, #tpu.memory_space<vmem_shared>>
      %dma_start3A_129 = arith.constant 0 : i32
      %dma_start3A_130 = arith.constant 0 : i32
      %dma_start3A_131 = tpu.memref_slice %arg12[%run_scoped3A_25, %dma_start3A_129, %dma_start3A_130] : memref<2x80x128xf32, #tpu.memory_space<vmem>> -> memref<1x80x128xf32, #tpu.memory_space<vmem>>
      %dma_start3A_132 = tpu.memref_squeeze %dma_start3A_131 : memref<1x80x128xf32, #tpu.memory_space<vmem>> -> memref<80x128xf32, #tpu.memory_space<vmem>>
      tpu.enqueue_dma source(%dma_start3A_132 : memref<80x128xf32, #tpu.memory_space<vmem>>) target(%dma_start3A_128 : memref<80x128xf32, #tpu.memory_space<vmem_shared>>) target_semaphore(%run_scoped3A_120 : memref<!tpu.dma_semaphore, #tpu.memory_space<semaphore_mem>>)
      %dma_wait3A_133 = arith.constant 0 : i32
      %dma_wait3A_134 = arith.constant 0 : i32
      %dma_wait3A_135 = tpu.memref_slice %arg12[%run_scoped3A_25, %dma_wait3A_133, %dma_wait3A_134] : memref<2x80x128xf32, #tpu.memory_space<vmem>> -> memref<1x80x128xf32, #tpu.memory_space<vmem>>
      %dma_wait3A_136 = tpu.memref_squeeze %dma_wait3A_135 : memref<1x80x128xf32, #tpu.memory_space<vmem>> -> memref<80x128xf32, #tpu.memory_space<vmem>>
      %dma_wait3A_137 = arith.constant 0 : i32
      %dma_wait3A_138 = tpu.memref_slice %arg13[%add3A_24, %dma_wait3A_137] : memref<10000x128xf32, #tpu.memory_space<vmem_shared>> -> memref<80x128xf32, #tpu.memory_space<vmem_shared>>
      %dma_wait3A_139 = arith.constant 0 : i32
      %dma_wait3A_140 = tpu.memref_slice %arg13[%add3A_24, %dma_wait3A_139] : memref<10000x128xf32, #tpu.memory_space<vmem_shared>> -> memref<80x128xf32, #tpu.memory_space<vmem_shared>>
      %dma_wait3A_141 = arith.constant 0 : i32
      %dma_wait3A_142 = arith.constant 0 : i32
      %dma_wait3A_143 = tpu.memref_slice %arg12[%run_scoped3A_25, %dma_wait3A_141, %dma_wait3A_142] : memref<2x80x128xf32, #tpu.memory_space<vmem>> -> memref<1x80x128xf32, #tpu.memory_space<vmem>>
      %dma_wait3A_144 = tpu.memref_squeeze %dma_wait3A_143 : memref<1x80x128xf32, #tpu.memory_space<vmem>> -> memref<80x128xf32, #tpu.memory_space<vmem>>
      tpu.wait_dma2 semaphore(%run_scoped3A_120 : memref<!tpu.dma_semaphore, #tpu.memory_space<semaphore_mem>>) src(%dma_wait3A_144 : memref<80x128xf32, #tpu.memory_space<vmem>>) dst(%dma_wait3A_140 : memref<80x128xf32, #tpu.memory_space<vmem_shared>>)
      tpu.yield
    }) : () -> ()
    %lt3A = arith.constant 15 : i32
    %lt3A_26 = arith.cmpi slt, %arg1, %lt3A : i32
    %convert_element_type3A = arith.extui %lt3A_26 : i1 to i32
    %cond3A = arith.constant 0 : i32
    %cond3A_27 = arith.constant 0 : i32
    %cond3A_28 = arith.cmpi ne, %convert_element_type3A, %cond3A_27 : i32
    scf.if %cond3A_28 {
      %add3A_120 = arith.constant 560 : i32
      %add3A_121 = arith.addi %mul3A_4, %add3A_120 : i32
      %run_scoped3A_122 = arith.constant 0 : i32
      "tpu.region"() ({
        %run_scoped3A_123 = tpu.sem_alloc : memref<!tpu.dma_semaphore, #tpu.memory_space<semaphore_mem>>
        %dma_start3A_124 = arith.constant 0 : i32
        %dma_start3A_125 = arith.constant 0 : i32
        %dma_start3A_126 = tpu.memref_slice %arg12[%cond3A, %dma_start3A_124, %dma_start3A_125] : memref<2x80x128xf32, #tpu.memory_space<vmem>> -> memref<1x80x128xf32, #tpu.memory_space<vmem>>
        %dma_start3A_127 = tpu.memref_squeeze %dma_start3A_126 : memref<1x80x128xf32, #tpu.memory_space<vmem>> -> memref<80x128xf32, #tpu.memory_space<vmem>>
        %dma_start3A_128 = arith.constant 0 : i32
        %dma_start3A_129 = tpu.memref_slice %dma_start3A_127[%run_scoped3A_122, %dma_start3A_128] : memref<80x128xf32, #tpu.memory_space<vmem>> -> memref<64x128xf32, #tpu.memory_space<vmem>>
        %dma_start3A_130 = arith.constant 0 : i32
        %dma_start3A_131 = tpu.memref_slice %arg13[%add3A_121, %dma_start3A_130] : memref<10000x128xf32, #tpu.memory_space<vmem_shared>> -> memref<64x128xf32, #tpu.memory_space<vmem_shared>>
        %dma_start3A_132 = arith.constant 0 : i32
        %dma_start3A_133 = tpu.memref_slice %arg13[%add3A_121, %dma_start3A_132] : memref<10000x128xf32, #tpu.memory_space<vmem_shared>> -> memref<64x128xf32, #tpu.memory_space<vmem_shared>>
        %dma_start3A_134 = arith.constant 0 : i32
        %dma_start3A_135 = arith.constant 0 : i32
        %dma_start3A_136 = tpu.memref_slice %arg12[%cond3A, %dma_start3A_134, %dma_start3A_135] : memref<2x80x128xf32, #tpu.memory_space<vmem>> -> memref<1x80x128xf32, #tpu.memory_space<vmem>>
        %dma_start3A_137 = tpu.memref_squeeze %dma_start3A_136 : memref<1x80x128xf32, #tpu.memory_space<vmem>> -> memref<80x128xf32, #tpu.memory_space<vmem>>
        %dma_start3A_138 = arith.constant 0 : i32
        %dma_start3A_139 = tpu.memref_slice %dma_start3A_137[%run_scoped3A_122, %dma_start3A_138] : memref<80x128xf32, #tpu.memory_space<vmem>> -> memref<64x128xf32, #tpu.memory_space<vmem>>
        tpu.enqueue_dma source(%dma_start3A_139 : memref<64x128xf32, #tpu.memory_space<vmem>>) target(%dma_start3A_133 : memref<64x128xf32, #tpu.memory_space<vmem_shared>>) target_semaphore(%run_scoped3A_123 : memref<!tpu.dma_semaphore, #tpu.memory_space<semaphore_mem>>)
        %dma_wait3A_140 = arith.constant 0 : i32
        %dma_wait3A_141 = arith.constant 0 : i32
        %dma_wait3A_142 = tpu.memref_slice %arg12[%cond3A, %dma_wait3A_140, %dma_wait3A_141] : memref<2x80x128xf32, #tpu.memory_space<vmem>> -> memref<1x80x128xf32, #tpu.memory_space<vmem>>
        %dma_wait3A_143 = tpu.memref_squeeze %dma_wait3A_142 : memref<1x80x128xf32, #tpu.memory_space<vmem>> -> memref<80x128xf32, #tpu.memory_space<vmem>>
        %dma_wait3A_144 = arith.constant 0 : i32
        %dma_wait3A_145 = tpu.memref_slice %dma_wait3A_143[%run_scoped3A_122, %dma_wait3A_144] : memref<80x128xf32, #tpu.memory_space<vmem>> -> memref<64x128xf32, #tpu.memory_space<vmem>>
        %dma_wait3A_146 = arith.constant 0 : i32
        %dma_wait3A_147 = tpu.memref_slice %arg13[%add3A_121, %dma_wait3A_146] : memref<10000x128xf32, #tpu.memory_space<vmem_shared>> -> memref<64x128xf32, #tpu.memory_space<vmem_shared>>
        %dma_wait3A_148 = arith.constant 0 : i32
        %dma_wait3A_149 = tpu.memref_slice %arg13[%add3A_121, %dma_wait3A_148] : memref<10000x128xf32, #tpu.memory_space<vmem_shared>> -> memref<64x128xf32, #tpu.memory_space<vmem_shared>>
        %dma_wait3A_150 = arith.constant 0 : i32
        %dma_wait3A_151 = arith.constant 0 : i32
        %dma_wait3A_152 = tpu.memref_slice %arg12[%cond3A, %dma_wait3A_150, %dma_wait3A_151] : memref<2x80x128xf32, #tpu.memory_space<vmem>> -> memref<1x80x128xf32, #tpu.memory_space<vmem>>
        %dma_wait3A_153 = tpu.memref_squeeze %dma_wait3A_152 : memref<1x80x128xf32, #tpu.memory_space<vmem>> -> memref<80x128xf32, #tpu.memory_space<vmem>>
        %dma_wait3A_154 = arith.constant 0 : i32
        %dma_wait3A_155 = tpu.memref_slice %dma_wait3A_153[%run_scoped3A_122, %dma_wait3A_154] : memref<80x128xf32, #tpu.memory_space<vmem>> -> memref<64x128xf32, #tpu.memory_space<vmem>>
        tpu.wait_dma2 semaphore(%run_scoped3A_123 : memref<!tpu.dma_semaphore, #tpu.memory_space<semaphore_mem>>) src(%dma_wait3A_155 : memref<64x128xf32, #tpu.memory_space<vmem>>) dst(%dma_wait3A_149 : memref<64x128xf32, #tpu.memory_space<vmem_shared>>)
        tpu.yield
      }) : () -> ()
    } else {
    }
    %eq3A = arith.constant 15 : i32
    %eq3A_29 = arith.cmpi eq, %arg1, %eq3A : i32
    %convert_element_type3A_30 = arith.extui %eq3A_29 : i1 to i32
    %cond3A_31 = arith.constant 0 : i32
    %cond3A_32 = arith.constant 0 : i32
    %cond3A_33 = arith.cmpi ne, %convert_element_type3A_30, %cond3A_32 : i32
    scf.if %cond3A_33 {
      %add3A_120 = arith.constant 560 : i32
      %add3A_121 = arith.addi %mul3A_4, %add3A_120 : i32
      "tpu.region"() ({
        %run_scoped3A_122 = tpu.sem_alloc : memref<!tpu.dma_semaphore, #tpu.memory_space<semaphore_mem>>
        %dma_start3A_123 = arith.constant 0 : i32
        %dma_start3A_124 = arith.constant 0 : i32
        %dma_start3A_125 = tpu.memref_slice %arg12[%cond3A_31, %dma_start3A_123, %dma_start3A_124] : memref<2x80x128xf32, #tpu.memory_space<vmem>> -> memref<1x80x128xf32, #tpu.memory_space<vmem>>
        %dma_start3A_126 = tpu.memref_squeeze %dma_start3A_125 : memref<1x80x128xf32, #tpu.memory_space<vmem>> -> memref<80x128xf32, #tpu.memory_space<vmem>>
        %dma_start3A_127 = arith.constant 0 : i32
        %dma_start3A_128 = tpu.memref_slice %arg13[%add3A_121, %dma_start3A_127] : memref<10000x128xf32, #tpu.memory_space<vmem_shared>> -> memref<80x128xf32, #tpu.memory_space<vmem_shared>>
        %dma_start3A_129 = arith.constant 0 : i32
        %dma_start3A_130 = tpu.memref_slice %arg13[%add3A_121, %dma_start3A_129] : memref<10000x128xf32, #tpu.memory_space<vmem_shared>> -> memref<80x128xf32, #tpu.memory_space<vmem_shared>>
        %dma_start3A_131 = arith.constant 0 : i32
        %dma_start3A_132 = arith.constant 0 : i32
        %dma_start3A_133 = tpu.memref_slice %arg12[%cond3A_31, %dma_start3A_131, %dma_start3A_132] : memref<2x80x128xf32, #tpu.memory_space<vmem>> -> memref<1x80x128xf32, #tpu.memory_space<vmem>>
        %dma_start3A_134 = tpu.memref_squeeze %dma_start3A_133 : memref<1x80x128xf32, #tpu.memory_space<vmem>> -> memref<80x128xf32, #tpu.memory_space<vmem>>
        tpu.enqueue_dma source(%dma_start3A_134 : memref<80x128xf32, #tpu.memory_space<vmem>>) target(%dma_start3A_130 : memref<80x128xf32, #tpu.memory_space<vmem_shared>>) target_semaphore(%run_scoped3A_122 : memref<!tpu.dma_semaphore, #tpu.memory_space<semaphore_mem>>)
        %dma_wait3A_135 = arith.constant 0 : i32
        %dma_wait3A_136 = arith.constant 0 : i32
        %dma_wait3A_137 = tpu.memref_slice %arg12[%cond3A_31, %dma_wait3A_135, %dma_wait3A_136] : memref<2x80x128xf32, #tpu.memory_space<vmem>> -> memref<1x80x128xf32, #tpu.memory_space<vmem>>
        %dma_wait3A_138 = tpu.memref_squeeze %dma_wait3A_137 : memref<1x80x128xf32, #tpu.memory_space<vmem>> -> memref<80x128xf32, #tpu.memory_space<vmem>>
        %dma_wait3A_139 = arith.constant 0 : i32
        %dma_wait3A_140 = tpu.memref_slice %arg13[%add3A_121, %dma_wait3A_139] : memref<10000x128xf32, #tpu.memory_space<vmem_shared>> -> memref<80x128xf32, #tpu.memory_space<vmem_shared>>
        %dma_wait3A_141 = arith.constant 0 : i32
        %dma_wait3A_142 = tpu.memref_slice %arg13[%add3A_121, %dma_wait3A_141] : memref<10000x128xf32, #tpu.memory_space<vmem_shared>> -> memref<80x128xf32, #tpu.memory_space<vmem_shared>>
        %dma_wait3A_143 = arith.constant 0 : i32
        %dma_wait3A_144 = arith.constant 0 : i32
        %dma_wait3A_145 = tpu.memref_slice %arg12[%cond3A_31, %dma_wait3A_143, %dma_wait3A_144] : memref<2x80x128xf32, #tpu.memory_space<vmem>> -> memref<1x80x128xf32, #tpu.memory_space<vmem>>
        %dma_wait3A_146 = tpu.memref_squeeze %dma_wait3A_145 : memref<1x80x128xf32, #tpu.memory_space<vmem>> -> memref<80x128xf32, #tpu.memory_space<vmem>>
        tpu.wait_dma2 semaphore(%run_scoped3A_122 : memref<!tpu.dma_semaphore, #tpu.memory_space<semaphore_mem>>) src(%dma_wait3A_146 : memref<80x128xf32, #tpu.memory_space<vmem>>) dst(%dma_wait3A_142 : memref<80x128xf32, #tpu.memory_space<vmem_shared>>)
        tpu.yield
      }) : () -> ()
    } else {
    }
    %while3A = arith.constant 0 : i32
    %while3A_34 = arith.constant 0 : i32
    %while3A_35 = arith.constant 25 : i32
    %while3A_36 = arith.subi %while3A_35, %while3A_34 : i32
    %while3A_37 = arith.addi %while3A_34, %while3A_36 : i32
    %while3A_38 = arith.constant 1 : i32
    %while3A_39 = arith.divsi %while3A_36, %while3A_38 : i32
    %while3A_40 = arith.muli %while3A_39, %while3A_38 : i32
    %while3A_41 = arith.addi %while3A_34, %while3A_40 : i32
    %while3A_42 = arith.constant 1 : i32
    scf.for %while3A_120 = %while3A_34 to %while3A_41 step %while3A_42  : i32 {
      %mul3A_121 = arith.constant 400 : i32
      %mul3A_122 = arith.muli %while3A_120, %mul3A_121 : i32
      %add3A_123 = arith.addi %mul3A_2, %mul3A_122 : i32
      "tpu.region"() ({
        %run_scoped3A_134 = tpu.sem_alloc : memref<!tpu.dma_semaphore, #tpu.memory_space<semaphore_mem>>
        %dma_start3A_135 = tpu.memref_slice %arg3[%add3A_123] : memref<320000xi32, #tpu.memory_space<hbm>> -> memref<400xi32, #tpu.memory_space<hbm>>
        %dma_start3A_136 = tpu.memref_slice %arg3[%add3A_123] : memref<320000xi32, #tpu.memory_space<hbm>> -> memref<400xi32, #tpu.memory_space<hbm>>
        tpu.enqueue_dma source(%dma_start3A_136 : memref<400xi32, #tpu.memory_space<hbm>>) target(%arg8 : memref<400xi32, #tpu.memory_space<vmem>>) target_semaphore(%run_scoped3A_134 : memref<!tpu.dma_semaphore, #tpu.memory_space<semaphore_mem>>)
        %dma_wait3A_137 = tpu.memref_slice %arg3[%add3A_123] : memref<320000xi32, #tpu.memory_space<hbm>> -> memref<400xi32, #tpu.memory_space<hbm>>
        %dma_wait3A_138 = tpu.memref_slice %arg3[%add3A_123] : memref<320000xi32, #tpu.memory_space<hbm>> -> memref<400xi32, #tpu.memory_space<hbm>>
        tpu.wait_dma2 semaphore(%run_scoped3A_134 : memref<!tpu.dma_semaphore, #tpu.memory_space<semaphore_mem>>) src(%dma_wait3A_138 : memref<400xi32, #tpu.memory_space<hbm>>) dst(%arg8 : memref<400xi32, #tpu.memory_space<vmem>>)
        tpu.yield
      }) : () -> ()
      "tpu.region"() ({
        %run_scoped3A_134 = tpu.sem_alloc : memref<!tpu.dma_semaphore, #tpu.memory_space<semaphore_mem>>
        %dma_start3A_135 = tpu.memref_slice %arg4[%add3A_123] : memref<320000xi32, #tpu.memory_space<hbm>> -> memref<400xi32, #tpu.memory_space<hbm>>
        %dma_start3A_136 = tpu.memref_slice %arg4[%add3A_123] : memref<320000xi32, #tpu.memory_space<hbm>> -> memref<400xi32, #tpu.memory_space<hbm>>
        tpu.enqueue_dma source(%dma_start3A_136 : memref<400xi32, #tpu.memory_space<hbm>>) target(%arg9 : memref<400xi32, #tpu.memory_space<vmem>>) target_semaphore(%run_scoped3A_134 : memref<!tpu.dma_semaphore, #tpu.memory_space<semaphore_mem>>)
        %dma_wait3A_137 = tpu.memref_slice %arg4[%add3A_123] : memref<320000xi32, #tpu.memory_space<hbm>> -> memref<400xi32, #tpu.memory_space<hbm>>
        %dma_wait3A_138 = tpu.memref_slice %arg4[%add3A_123] : memref<320000xi32, #tpu.memory_space<hbm>> -> memref<400xi32, #tpu.memory_space<hbm>>
        tpu.wait_dma2 semaphore(%run_scoped3A_134 : memref<!tpu.dma_semaphore, #tpu.memory_space<semaphore_mem>>) src(%dma_wait3A_138 : memref<400xi32, #tpu.memory_space<hbm>>) dst(%arg9 : memref<400xi32, #tpu.memory_space<vmem>>)
        tpu.yield
      }) : () -> ()
      %while3A_124 = arith.constant 0 : i32
      %while3A_125 = arith.constant 25 : i32
      %while3A_126 = arith.subi %while3A_125, %while3A_124 : i32
      %while3A_127 = arith.addi %while3A_124, %while3A_126 : i32
      %while3A_128 = arith.constant 1 : i32
      %while3A_129 = arith.divsi %while3A_126, %while3A_128 : i32
      %while3A_130 = arith.muli %while3A_129, %while3A_128 : i32
      %while3A_131 = arith.addi %while3A_124, %while3A_130 : i32
      %while3A_132 = arith.constant 1 : i32
      scf.for %while3A_134 = %while3A_124 to %while3A_131 step %while3A_132  : i32 {
        %mul3A_135 = arith.constant 16 : i32
        %mul3A_136 = arith.muli %while3A_134, %mul3A_135 : i32
        %mul3A_137 = arith.constant 400 : i32
        %mul3A_138 = arith.muli %while3A_120, %mul3A_137 : i32
        %mul3A_139 = arith.constant 16 : i32
        %mul3A_140 = arith.muli %while3A_134, %mul3A_139 : i32
        %add3A_141 = arith.addi %mul3A_138, %mul3A_140 : i32
        %get3A = arith.index_cast %mul3A_136 : i32 to index
        %get3A_142 = tpu.vector_load %arg9[%get3A] {strides = array<i32>} : memref<400xi32, #tpu.memory_space<vmem>>, vector<16xi32>,
        %get3A_143 = vector.shape_cast %get3A_142 : vector<16xi32> to vector<16xi32>
        %mul3A_144 = arith.constant 10000 : i32
        %mul3A_145 = vector.broadcast %mul3A_144 : i32 to vector<16xi32>
        %mul3A_146 = arith.muli %get3A_143, %mul3A_145 : vector<16xi32>
        %get3A_147 = arith.index_cast %mul3A_136 : i32 to index
        %get3A_148 = tpu.vector_load %arg8[%get3A_147] {strides = array<i32>} : memref<400xi32, #tpu.memory_space<vmem>>, vector<16xi32>,
        %get3A_149 = vector.shape_cast %get3A_148 : vector<16xi32> to vector<16xi32>
        %add3A_150 = arith.addi %mul3A_146, %get3A_149 : vector<16xi32>
        %swap3A = arith.index_cast %add3A_141 : i32 to index
        %swap3A_151 = tpu.vector_load %arg10[%swap3A] {strides = array<i32>} : memref<10000xi32, #tpu.memory_space<vmem>>, vector<16xi32>,
        %swap3A_152 = vector.shape_cast %swap3A_151 : vector<16xi32> to vector<16xi32>
        %swap3A_153 = vector.shape_cast %add3A_150 : vector<16xi32> to vector<16xi32>
        tpu.vector_store %arg10[%swap3A], %swap3A_153 {strides = array<i32>} : memref<10000xi32, #tpu.memory_space<vmem>>, vector<16xi32>,
      }
      %while3A_133 = arith.constant 1 : i32
      scf.for %while3A_134 = %while3A_131 to %while3A_127 step %while3A_133  : i32 {
        %mul3A_135 = arith.constant 16 : i32
        %mul3A_136 = arith.muli %while3A_134, %mul3A_135 : i32
        %mul3A_137 = arith.constant 400 : i32
        %mul3A_138 = arith.muli %while3A_120, %mul3A_137 : i32
        %mul3A_139 = arith.constant 16 : i32
        %mul3A_140 = arith.muli %while3A_134, %mul3A_139 : i32
        %add3A_141 = arith.addi %mul3A_138, %mul3A_140 : i32
        %get3A = arith.index_cast %mul3A_136 : i32 to index
        %get3A_142 = tpu.vector_load %arg9[%get3A] {strides = array<i32>} : memref<400xi32, #tpu.memory_space<vmem>>, vector<16xi32>,
        %get3A_143 = vector.shape_cast %get3A_142 : vector<16xi32> to vector<16xi32>
        %mul3A_144 = arith.constant 10000 : i32
        %mul3A_145 = vector.broadcast %mul3A_144 : i32 to vector<16xi32>
        %mul3A_146 = arith.muli %get3A_143, %mul3A_145 : vector<16xi32>
        %get3A_147 = arith.index_cast %mul3A_136 : i32 to index
        %get3A_148 = tpu.vector_load %arg8[%get3A_147] {strides = array<i32>} : memref<400xi32, #tpu.memory_space<vmem>>, vector<16xi32>,
        %get3A_149 = vector.shape_cast %get3A_148 : vector<16xi32> to vector<16xi32>
        %add3A_150 = arith.addi %mul3A_146, %get3A_149 : vector<16xi32>
        %swap3A = arith.index_cast %add3A_141 : i32 to index
        %swap3A_151 = tpu.vector_load %arg10[%swap3A] {strides = array<i32>} : memref<10000xi32, #tpu.memory_space<vmem>>, vector<16xi32>,
        %swap3A_152 = vector.shape_cast %swap3A_151 : vector<16xi32> to vector<16xi32>
        %swap3A_153 = vector.shape_cast %add3A_150 : vector<16xi32> to vector<16xi32>
        tpu.vector_store %arg10[%swap3A], %swap3A_153 {strides = array<i32>} : memref<10000xi32, #tpu.memory_space<vmem>>, vector<16xi32>,
      }
    }
    %while3A_43 = arith.constant 1 : i32
    scf.for %while3A_120 = %while3A_41 to %while3A_37 step %while3A_43  : i32 {
      %mul3A_121 = arith.constant 400 : i32
      %mul3A_122 = arith.muli %while3A_120, %mul3A_121 : i32
      %add3A_123 = arith.addi %mul3A_2, %mul3A_122 : i32
      "tpu.region"() ({
        %run_scoped3A_134 = tpu.sem_alloc : memref<!tpu.dma_semaphore, #tpu.memory_space<semaphore_mem>>
        %dma_start3A_135 = tpu.memref_slice %arg3[%add3A_123] : memref<320000xi32, #tpu.memory_space<hbm>> -> memref<400xi32, #tpu.memory_space<hbm>>
        %dma_start3A_136 = tpu.memref_slice %arg3[%add3A_123] : memref<320000xi32, #tpu.memory_space<hbm>> -> memref<400xi32, #tpu.memory_space<hbm>>
        tpu.enqueue_dma source(%dma_start3A_136 : memref<400xi32, #tpu.memory_space<hbm>>) target(%arg8 : memref<400xi32, #tpu.memory_space<vmem>>) target_semaphore(%run_scoped3A_134 : memref<!tpu.dma_semaphore, #tpu.memory_space<semaphore_mem>>)
        %dma_wait3A_137 = tpu.memref_slice %arg3[%add3A_123] : memref<320000xi32, #tpu.memory_space<hbm>> -> memref<400xi32, #tpu.memory_space<hbm>>
        %dma_wait3A_138 = tpu.memref_slice %arg3[%add3A_123] : memref<320000xi32, #tpu.memory_space<hbm>> -> memref<400xi32, #tpu.memory_space<hbm>>
        tpu.wait_dma2 semaphore(%run_scoped3A_134 : memref<!tpu.dma_semaphore, #tpu.memory_space<semaphore_mem>>) src(%dma_wait3A_138 : memref<400xi32, #tpu.memory_space<hbm>>) dst(%arg8 : memref<400xi32, #tpu.memory_space<vmem>>)
        tpu.yield
      }) : () -> ()
      "tpu.region"() ({
        %run_scoped3A_134 = tpu.sem_alloc : memref<!tpu.dma_semaphore, #tpu.memory_space<semaphore_mem>>
        %dma_start3A_135 = tpu.memref_slice %arg4[%add3A_123] : memref<320000xi32, #tpu.memory_space<hbm>> -> memref<400xi32, #tpu.memory_space<hbm>>
        %dma_start3A_136 = tpu.memref_slice %arg4[%add3A_123] : memref<320000xi32, #tpu.memory_space<hbm>> -> memref<400xi32, #tpu.memory_space<hbm>>
        tpu.enqueue_dma source(%dma_start3A_136 : memref<400xi32, #tpu.memory_space<hbm>>) target(%arg9 : memref<400xi32, #tpu.memory_space<vmem>>) target_semaphore(%run_scoped3A_134 : memref<!tpu.dma_semaphore, #tpu.memory_space<semaphore_mem>>)
        %dma_wait3A_137 = tpu.memref_slice %arg4[%add3A_123] : memref<320000xi32, #tpu.memory_space<hbm>> -> memref<400xi32, #tpu.memory_space<hbm>>
        %dma_wait3A_138 = tpu.memref_slice %arg4[%add3A_123] : memref<320000xi32, #tpu.memory_space<hbm>> -> memref<400xi32, #tpu.memory_space<hbm>>
        tpu.wait_dma2 semaphore(%run_scoped3A_134 : memref<!tpu.dma_semaphore, #tpu.memory_space<semaphore_mem>>) src(%dma_wait3A_138 : memref<400xi32, #tpu.memory_space<hbm>>) dst(%arg9 : memref<400xi32, #tpu.memory_space<vmem>>)
        tpu.yield
      }) : () -> ()
      %while3A_124 = arith.constant 0 : i32
      %while3A_125 = arith.constant 25 : i32
      %while3A_126 = arith.subi %while3A_125, %while3A_124 : i32
      %while3A_127 = arith.addi %while3A_124, %while3A_126 : i32
      %while3A_128 = arith.constant 1 : i32
      %while3A_129 = arith.divsi %while3A_126, %while3A_128 : i32
      %while3A_130 = arith.muli %while3A_129, %while3A_128 : i32
      %while3A_131 = arith.addi %while3A_124, %while3A_130 : i32
      %while3A_132 = arith.constant 1 : i32
      scf.for %while3A_134 = %while3A_124 to %while3A_131 step %while3A_132  : i32 {
        %mul3A_135 = arith.constant 16 : i32
        %mul3A_136 = arith.muli %while3A_134, %mul3A_135 : i32
        %mul3A_137 = arith.constant 400 : i32
        %mul3A_138 = arith.muli %while3A_120, %mul3A_137 : i32
        %mul3A_139 = arith.constant 16 : i32
        %mul3A_140 = arith.muli %while3A_134, %mul3A_139 : i32
        %add3A_141 = arith.addi %mul3A_138, %mul3A_140 : i32
        %get3A = arith.index_cast %mul3A_136 : i32 to index
        %get3A_142 = tpu.vector_load %arg9[%get3A] {strides = array<i32>} : memref<400xi32, #tpu.memory_space<vmem>>, vector<16xi32>,
        %get3A_143 = vector.shape_cast %get3A_142 : vector<16xi32> to vector<16xi32>
        %mul3A_144 = arith.constant 10000 : i32
        %mul3A_145 = vector.broadcast %mul3A_144 : i32 to vector<16xi32>
        %mul3A_146 = arith.muli %get3A_143, %mul3A_145 : vector<16xi32>
        %get3A_147 = arith.index_cast %mul3A_136 : i32 to index
        %get3A_148 = tpu.vector_load %arg8[%get3A_147] {strides = array<i32>} : memref<400xi32, #tpu.memory_space<vmem>>, vector<16xi32>,
        %get3A_149 = vector.shape_cast %get3A_148 : vector<16xi32> to vector<16xi32>
        %add3A_150 = arith.addi %mul3A_146, %get3A_149 : vector<16xi32>
        %swap3A = arith.index_cast %add3A_141 : i32 to index
        %swap3A_151 = tpu.vector_load %arg10[%swap3A] {strides = array<i32>} : memref<10000xi32, #tpu.memory_space<vmem>>, vector<16xi32>,
        %swap3A_152 = vector.shape_cast %swap3A_151 : vector<16xi32> to vector<16xi32>
        %swap3A_153 = vector.shape_cast %add3A_150 : vector<16xi32> to vector<16xi32>
        tpu.vector_store %arg10[%swap3A], %swap3A_153 {strides = array<i32>} : memref<10000xi32, #tpu.memory_space<vmem>>, vector<16xi32>,
      }
      %while3A_133 = arith.constant 1 : i32
      scf.for %while3A_134 = %while3A_131 to %while3A_127 step %while3A_133  : i32 {
        %mul3A_135 = arith.constant 16 : i32
        %mul3A_136 = arith.muli %while3A_134, %mul3A_135 : i32
        %mul3A_137 = arith.constant 400 : i32
        %mul3A_138 = arith.muli %while3A_120, %mul3A_137 : i32
        %mul3A_139 = arith.constant 16 : i32
        %mul3A_140 = arith.muli %while3A_134, %mul3A_139 : i32
        %add3A_141 = arith.addi %mul3A_138, %mul3A_140 : i32
        %get3A = arith.index_cast %mul3A_136 : i32 to index
        %get3A_142 = tpu.vector_load %arg9[%get3A] {strides = array<i32>} : memref<400xi32, #tpu.memory_space<vmem>>, vector<16xi32>,
        %get3A_143 = vector.shape_cast %get3A_142 : vector<16xi32> to vector<16xi32>
        %mul3A_144 = arith.constant 10000 : i32
        %mul3A_145 = vector.broadcast %mul3A_144 : i32 to vector<16xi32>
        %mul3A_146 = arith.muli %get3A_143, %mul3A_145 : vector<16xi32>
        %get3A_147 = arith.index_cast %mul3A_136 : i32 to index
        %get3A_148 = tpu.vector_load %arg8[%get3A_147] {strides = array<i32>} : memref<400xi32, #tpu.memory_space<vmem>>, vector<16xi32>,
        %get3A_149 = vector.shape_cast %get3A_148 : vector<16xi32> to vector<16xi32>
        %add3A_150 = arith.addi %mul3A_146, %get3A_149 : vector<16xi32>
        %swap3A = arith.index_cast %add3A_141 : i32 to index
        %swap3A_151 = tpu.vector_load %arg10[%swap3A] {strides = array<i32>} : memref<10000xi32, #tpu.memory_space<vmem>>, vector<16xi32>,
        %swap3A_152 = vector.shape_cast %swap3A_151 : vector<16xi32> to vector<16xi32>
        %swap3A_153 = vector.shape_cast %add3A_150 : vector<16xi32> to vector<16xi32>
        tpu.vector_store %arg10[%swap3A], %swap3A_153 {strides = array<i32>} : memref<10000xi32, #tpu.memory_space<vmem>>, vector<16xi32>,
      }
    }
    %barrier3A = arith.constant 0 : index
    tpu.barrier barrier_id(%barrier3A)
    %mul3A_44 = arith.constant 0 : i32
    %mul3A_45 = arith.constant 80 : i32
    %mul3A_46 = arith.muli %mul3A_44, %mul3A_45 : i32
    %dma_start3A = arith.constant 0 : i32
    %dma_start3A_47 = arith.constant 0 : i32
    %dma_start3A_48 = arith.constant 0 : i32
    %dma_start3A_49 = arith.constant 0 : i32
    %dma_start3A_50 = tpu.memref_slice %arg12[%dma_start3A, %dma_start3A_48, %dma_start3A_49] : memref<2x80x128xf32, #tpu.memory_space<vmem>> -> memref<1x80x128xf32, #tpu.memory_space<vmem>>
    %dma_start3A_51 = tpu.memref_squeeze %dma_start3A_50 : memref<1x80x128xf32, #tpu.memory_space<vmem>> -> memref<80x128xf32, #tpu.memory_space<vmem>>
    %dma_start3A_52 = tpu.memref_slice %arg10[%mul3A_46] : memref<10000xi32, #tpu.memory_space<vmem>> -> memref<80xi32, #tpu.memory_space<vmem>>
    %dma_start3A_53 = arith.constant 0 : i32
    %dma_start3A_54 = arith.constant 0 : i32
    %dma_start3A_55 = tpu.memref_slice %arg2[%dma_start3A_53, %dma_start3A_54] : memref<270000x128xf32, #tpu.memory_space<hbm>> -> memref<270000x128xf32, #tpu.memory_space<hbm>>
    %dma_start3A_56 = tpu.memref_slice %arg14[%dma_start3A_47] : memref<4x!tpu.dma_semaphore, #tpu.memory_space<semaphore_mem>> -> memref<1x!tpu.dma_semaphore, #tpu.memory_space<semaphore_mem>>
    %dma_start3A_57 = tpu.memref_squeeze %dma_start3A_56 : memref<1x!tpu.dma_semaphore, #tpu.memory_space<semaphore_mem>> -> memref<!tpu.dma_semaphore, #tpu.memory_space<semaphore_mem>>
    tpu.enqueue_indirect_dma source(%dma_start3A_55 : memref<270000x128xf32, #tpu.memory_space<hbm>>) target(%dma_start3A_51 : memref<80x128xf32, #tpu.memory_space<vmem>>) offsets(%dma_start3A_52 : memref<80xi32, #tpu.memory_space<vmem>>) semaphore(%dma_start3A_57 : memref<!tpu.dma_semaphore, #tpu.memory_space<semaphore_mem>>)
    %mul3A_58 = arith.constant 1 : i32
    %mul3A_59 = arith.constant 80 : i32
    %mul3A_60 = arith.muli %mul3A_58, %mul3A_59 : i32
    %dma_start3A_61 = arith.constant 1 : i32
    %dma_start3A_62 = arith.constant 1 : i32
    %dma_start3A_63 = arith.constant 0 : i32
    %dma_start3A_64 = arith.constant 0 : i32
    %dma_start3A_65 = tpu.memref_slice %arg12[%dma_start3A_61, %dma_start3A_63, %dma_start3A_64] : memref<2x80x128xf32, #tpu.memory_space<vmem>> -> memref<1x80x128xf32, #tpu.memory_space<vmem>>
    %dma_start3A_66 = tpu.memref_squeeze %dma_start3A_65 : memref<1x80x128xf32, #tpu.memory_space<vmem>> -> memref<80x128xf32, #tpu.memory_space<vmem>>
    %dma_start3A_67 = tpu.memref_slice %arg10[%mul3A_60] : memref<10000xi32, #tpu.memory_space<vmem>> -> memref<80xi32, #tpu.memory_space<vmem>>
    %dma_start3A_68 = arith.constant 0 : i32
    %dma_start3A_69 = arith.constant 0 : i32
    %dma_start3A_70 = tpu.memref_slice %arg2[%dma_start3A_68, %dma_start3A_69] : memref<270000x128xf32, #tpu.memory_space<hbm>> -> memref<270000x128xf32, #tpu.memory_space<hbm>>
    %dma_start3A_71 = tpu.memref_slice %arg14[%dma_start3A_62] : memref<4x!tpu.dma_semaphore, #tpu.memory_space<semaphore_mem>> -> memref<1x!tpu.dma_semaphore, #tpu.memory_space<semaphore_mem>>
    %dma_start3A_72 = tpu.memref_squeeze %dma_start3A_71 : memref<1x!tpu.dma_semaphore, #tpu.memory_space<semaphore_mem>> -> memref<!tpu.dma_semaphore, #tpu.memory_space<semaphore_mem>>
    tpu.enqueue_indirect_dma source(%dma_start3A_70 : memref<270000x128xf32, #tpu.memory_space<hbm>>) target(%dma_start3A_66 : memref<80x128xf32, #tpu.memory_space<vmem>>) offsets(%dma_start3A_67 : memref<80xi32, #tpu.memory_space<vmem>>) semaphore(%dma_start3A_72 : memref<!tpu.dma_semaphore, #tpu.memory_space<semaphore_mem>>)
    %while3A_73 = arith.constant 0 : i32
    %while3A_74 = arith.constant 0 : i32
    %while3A_75 = arith.constant 0 : i32
    %while3A_76 = arith.constant 2 : i32
    %while3A_77 = arith.constant 1 : i32
    %while3A_78 = arith.constant 1 : i32
    %while3A_79 = arith.constant 3 : i32
    %while3A_80 = arith.constant 0 : i32
    %while3A_81 = arith.constant 62 : i32
    %while3A_82 = arith.subi %while3A_81, %while3A_80 : i32
    %while3A_83 = arith.addi %while3A_80, %while3A_82 : i32
    %while3A_84 = arith.constant 1 : i32
    %while3A_85 = arith.divsi %while3A_82, %while3A_84 : i32
    %while3A_86 = arith.muli %while3A_85, %while3A_84 : i32
    %while3A_87 = arith.addi %while3A_80, %while3A_86 : i32
    %while3A_88 = arith.constant 1 : i32
    scf.for %while3A_120 = %while3A_80 to %while3A_87 step %while3A_88  : i32 {
      %mul3A_121 = arith.constant 2 : i32
      %mul3A_122 = arith.muli %while3A_120, %mul3A_121 : i32
      %mul3A_123 = arith.constant 80 : i32
      %mul3A_124 = arith.muli %mul3A_122, %mul3A_123 : i32
      %dma_wait3A_125 = arith.constant 0 : i32
      %dma_wait3A_126 = arith.constant 0 : i32
      %dma_wait3A_127 = tpu.memref_slice %arg12[%while3A_74, %dma_wait3A_125, %dma_wait3A_126] : memref<2x80x128xf32, #tpu.memory_space<vmem>> -> memref<1x80x128xf32, #tpu.memory_space<vmem>>
      %dma_wait3A_128 = tpu.memref_squeeze %dma_wait3A_127 : memref<1x80x128xf32, #tpu.memory_space<vmem>> -> memref<80x128xf32, #tpu.memory_space<vmem>>
      %dma_wait3A_129 = tpu.memref_slice %arg10[%mul3A_124] : memref<10000xi32, #tpu.memory_space<vmem>> -> memref<80xi32, #tpu.memory_space<vmem>>
      %dma_wait3A_130 = arith.constant 0 : i32
      %dma_wait3A_131 = arith.constant 0 : i32
      %dma_wait3A_132 = tpu.memref_slice %arg2[%dma_wait3A_130, %dma_wait3A_131] : memref<270000x128xf32, #tpu.memory_space<hbm>> -> memref<270000x128xf32, #tpu.memory_space<hbm>>
      %dma_wait3A_133 = tpu.memref_slice %arg14[%while3A_75] : memref<4x!tpu.dma_semaphore, #tpu.memory_space<semaphore_mem>> -> memref<1x!tpu.dma_semaphore, #tpu.memory_space<semaphore_mem>>
      %dma_wait3A_134 = tpu.memref_squeeze %dma_wait3A_133 : memref<1x!tpu.dma_semaphore, #tpu.memory_space<semaphore_mem>> -> memref<!tpu.dma_semaphore, #tpu.memory_space<semaphore_mem>>
      tpu.wait_indirect_dma semaphore(%dma_wait3A_134 : memref<!tpu.dma_semaphore, #tpu.memory_space<semaphore_mem>>) src(%dma_wait3A_132 : memref<270000x128xf32, #tpu.memory_space<hbm>>) dst(%dma_wait3A_128 : memref<80x128xf32, #tpu.memory_space<vmem>>)
      %dma_start3A_135 = arith.constant 0 : i32
      %dma_start3A_136 = arith.constant 0 : i32
      %dma_start3A_137 = tpu.memref_slice %arg12[%while3A_74, %dma_start3A_135, %dma_start3A_136] : memref<2x80x128xf32, #tpu.memory_space<vmem>> -> memref<1x80x128xf32, #tpu.memory_space<vmem>>
      %dma_start3A_138 = tpu.memref_squeeze %dma_start3A_137 : memref<1x80x128xf32, #tpu.memory_space<vmem>> -> memref<80x128xf32, #tpu.memory_space<vmem>>
      %dma_start3A_139 = arith.constant 0 : i32
      %dma_start3A_140 = tpu.memref_slice %arg11[%mul3A_122, %dma_start3A_139] : memref<125x80xi32, #tpu.memory_space<vmem>> -> memref<1x80xi32, #tpu.memory_space<vmem>>
      %dma_start3A_141 = tpu.memref_squeeze %dma_start3A_140 : memref<1x80xi32, #tpu.memory_space<vmem>> -> memref<80xi32, #tpu.memory_space<vmem>>
      %dma_start3A_142 = arith.constant 0 : i32
      %dma_start3A_143 = arith.constant 0 : i32
      %dma_start3A_144 = tpu.memref_slice %arg13[%dma_start3A_142, %dma_start3A_143] : memref<10000x128xf32, #tpu.memory_space<vmem_shared>> -> memref<10000x128xf32, #tpu.memory_space<vmem_shared>>
      %dma_start3A_145 = tpu.memref_slice %arg14[%while3A_76] : memref<4x!tpu.dma_semaphore, #tpu.memory_space<semaphore_mem>> -> memref<1x!tpu.dma_semaphore, #tpu.memory_space<semaphore_mem>>
      %dma_start3A_146 = tpu.memref_squeeze %dma_start3A_145 : memref<1x!tpu.dma_semaphore, #tpu.memory_space<semaphore_mem>> -> memref<!tpu.dma_semaphore, #tpu.memory_space<semaphore_mem>>
      tpu.enqueue_indirect_dma source(%dma_start3A_138 : memref<80x128xf32, #tpu.memory_space<vmem>>) target(%dma_start3A_144 : memref<10000x128xf32, #tpu.memory_space<vmem_shared>>) offsets(%dma_start3A_141 : memref<80xi32, #tpu.memory_space<vmem>>) semaphore(%dma_start3A_146 : memref<!tpu.dma_semaphore, #tpu.memory_space<semaphore_mem>>) {add = true}
      %add3A_147 = arith.constant 1 : i32
      %add3A_148 = arith.addi %mul3A_122, %add3A_147 : i32
      %mul3A_149 = arith.constant 80 : i32
      %mul3A_150 = arith.muli %add3A_148, %mul3A_149 : i32
      %dma_wait3A_151 = arith.constant 0 : i32
      %dma_wait3A_152 = arith.constant 0 : i32
      %dma_wait3A_153 = tpu.memref_slice %arg12[%while3A_77, %dma_wait3A_151, %dma_wait3A_152] : memref<2x80x128xf32, #tpu.memory_space<vmem>> -> memref<1x80x128xf32, #tpu.memory_space<vmem>>
      %dma_wait3A_154 = tpu.memref_squeeze %dma_wait3A_153 : memref<1x80x128xf32, #tpu.memory_space<vmem>> -> memref<80x128xf32, #tpu.memory_space<vmem>>
      %dma_wait3A_155 = tpu.memref_slice %arg10[%mul3A_150] : memref<10000xi32, #tpu.memory_space<vmem>> -> memref<80xi32, #tpu.memory_space<vmem>>
      %dma_wait3A_156 = arith.constant 0 : i32
      %dma_wait3A_157 = arith.constant 0 : i32
      %dma_wait3A_158 = tpu.memref_slice %arg2[%dma_wait3A_156, %dma_wait3A_157] : memref<270000x128xf32, #tpu.memory_space<hbm>> -> memref<270000x128xf32, #tpu.memory_space<hbm>>
      %dma_wait3A_159 = tpu.memref_slice %arg14[%while3A_78] : memref<4x!tpu.dma_semaphore, #tpu.memory_space<semaphore_mem>> -> memref<1x!tpu.dma_semaphore, #tpu.memory_space<semaphore_mem>>
      %dma_wait3A_160 = tpu.memref_squeeze %dma_wait3A_159 : memref<1x!tpu.dma_semaphore, #tpu.memory_space<semaphore_mem>> -> memref<!tpu.dma_semaphore, #tpu.memory_space<semaphore_mem>>
      tpu.wait_indirect_dma semaphore(%dma_wait3A_160 : memref<!tpu.dma_semaphore, #tpu.memory_space<semaphore_mem>>) src(%dma_wait3A_158 : memref<270000x128xf32, #tpu.memory_space<hbm>>) dst(%dma_wait3A_154 : memref<80x128xf32, #tpu.memory_space<vmem>>)
      %add3A_161 = arith.constant 1 : i32
      %add3A_162 = arith.addi %mul3A_122, %add3A_161 : i32
      %dma_start3A_163 = arith.constant 0 : i32
      %dma_start3A_164 = arith.constant 0 : i32
      %dma_start3A_165 = tpu.memref_slice %arg12[%while3A_77, %dma_start3A_163, %dma_start3A_164] : memref<2x80x128xf32, #tpu.memory_space<vmem>> -> memref<1x80x128xf32, #tpu.memory_space<vmem>>
      %dma_start3A_166 = tpu.memref_squeeze %dma_start3A_165 : memref<1x80x128xf32, #tpu.memory_space<vmem>> -> memref<80x128xf32, #tpu.memory_space<vmem>>
      %dma_start3A_167 = arith.constant 0 : i32
      %dma_start3A_168 = tpu.memref_slice %arg11[%add3A_162, %dma_start3A_167] : memref<125x80xi32, #tpu.memory_space<vmem>> -> memref<1x80xi32, #tpu.memory_space<vmem>>
      %dma_start3A_169 = tpu.memref_squeeze %dma_start3A_168 : memref<1x80xi32, #tpu.memory_space<vmem>> -> memref<80xi32, #tpu.memory_space<vmem>>
      %dma_start3A_170 = arith.constant 0 : i32
      %dma_start3A_171 = arith.constant 0 : i32
      %dma_start3A_172 = tpu.memref_slice %arg13[%dma_start3A_170, %dma_start3A_171] : memref<10000x128xf32, #tpu.memory_space<vmem_shared>> -> memref<10000x128xf32, #tpu.memory_space<vmem_shared>>
      %dma_start3A_173 = tpu.memref_slice %arg14[%while3A_79] : memref<4x!tpu.dma_semaphore, #tpu.memory_space<semaphore_mem>> -> memref<1x!tpu.dma_semaphore, #tpu.memory_space<semaphore_mem>>
      %dma_start3A_174 = tpu.memref_squeeze %dma_start3A_173 : memref<1x!tpu.dma_semaphore, #tpu.memory_space<semaphore_mem>> -> memref<!tpu.dma_semaphore, #tpu.memory_space<semaphore_mem>>
      tpu.enqueue_indirect_dma source(%dma_start3A_166 : memref<80x128xf32, #tpu.memory_space<vmem>>) target(%dma_start3A_172 : memref<10000x128xf32, #tpu.memory_space<vmem_shared>>) offsets(%dma_start3A_169 : memref<80xi32, #tpu.memory_space<vmem>>) semaphore(%dma_start3A_174 : memref<!tpu.dma_semaphore, #tpu.memory_space<semaphore_mem>>) {add = true}
      %dma_wait3A_175 = arith.constant 0 : i32
      %dma_wait3A_176 = arith.constant 0 : i32
      %dma_wait3A_177 = tpu.memref_slice %arg12[%while3A_74, %dma_wait3A_175, %dma_wait3A_176] : memref<2x80x128xf32, #tpu.memory_space<vmem>> -> memref<1x80x128xf32, #tpu.memory_space<vmem>>
      %dma_wait3A_178 = tpu.memref_squeeze %dma_wait3A_177 : memref<1x80x128xf32, #tpu.memory_space<vmem>> -> memref<80x128xf32, #tpu.memory_space<vmem>>
      %dma_wait3A_179 = arith.constant 0 : i32
      %dma_wait3A_180 = tpu.memref_slice %arg11[%mul3A_122, %dma_wait3A_179] : memref<125x80xi32, #tpu.memory_space<vmem>> -> memref<1x80xi32, #tpu.memory_space<vmem>>
      %dma_wait3A_181 = tpu.memref_squeeze %dma_wait3A_180 : memref<1x80xi32, #tpu.memory_space<vmem>> -> memref<80xi32, #tpu.memory_space<vmem>>
      %dma_wait3A_182 = arith.constant 0 : i32
      %dma_wait3A_183 = arith.constant 0 : i32
      %dma_wait3A_184 = tpu.memref_slice %arg13[%dma_wait3A_182, %dma_wait3A_183] : memref<10000x128xf32, #tpu.memory_space<vmem_shared>> -> memref<10000x128xf32, #tpu.memory_space<vmem_shared>>
      %dma_wait3A_185 = tpu.memref_slice %arg14[%while3A_76] : memref<4x!tpu.dma_semaphore, #tpu.memory_space<semaphore_mem>> -> memref<1x!tpu.dma_semaphore, #tpu.memory_space<semaphore_mem>>
      %dma_wait3A_186 = tpu.memref_squeeze %dma_wait3A_185 : memref<1x!tpu.dma_semaphore, #tpu.memory_space<semaphore_mem>> -> memref<!tpu.dma_semaphore, #tpu.memory_space<semaphore_mem>>
      tpu.wait_indirect_dma semaphore(%dma_wait3A_186 : memref<!tpu.dma_semaphore, #tpu.memory_space<semaphore_mem>>) src(%dma_wait3A_178 : memref<80x128xf32, #tpu.memory_space<vmem>>) dst(%dma_wait3A_184 : memref<10000x128xf32, #tpu.memory_space<vmem_shared>>)
      %add3A_187 = arith.constant 2 : i32
      %add3A_188 = arith.addi %mul3A_122, %add3A_187 : i32
      %lt3A_189 = arith.constant 125 : i32
      %lt3A_190 = arith.cmpi slt, %add3A_188, %lt3A_189 : i32
      %convert_element_type3A_191 = arith.extui %lt3A_190 : i1 to i32
      %cond3A_192 = arith.constant 0 : i32
      %cond3A_193 = arith.cmpi ne, %convert_element_type3A_191, %cond3A_192 : i32
      scf.if %cond3A_193 {
        %add3A_215 = arith.constant 2 : i32
        %add3A_216 = arith.addi %mul3A_122, %add3A_215 : i32
        %mul3A_217 = arith.constant 80 : i32
        %mul3A_218 = arith.muli %add3A_216, %mul3A_217 : i32
        %dma_start3A_219 = arith.constant 0 : i32
        %dma_start3A_220 = arith.constant 0 : i32
        %dma_start3A_221 = tpu.memref_slice %arg12[%while3A_74, %dma_start3A_219, %dma_start3A_220] : memref<2x80x128xf32, #tpu.memory_space<vmem>> -> memref<1x80x128xf32, #tpu.memory_space<vmem>>
        %dma_start3A_222 = tpu.memref_squeeze %dma_start3A_221 : memref<1x80x128xf32, #tpu.memory_space<vmem>> -> memref<80x128xf32, #tpu.memory_space<vmem>>
        %dma_start3A_223 = tpu.memref_slice %arg10[%mul3A_218] : memref<10000xi32, #tpu.memory_space<vmem>> -> memref<80xi32, #tpu.memory_space<vmem>>
        %dma_start3A_224 = arith.constant 0 : i32
        %dma_start3A_225 = arith.constant 0 : i32
        %dma_start3A_226 = tpu.memref_slice %arg2[%dma_start3A_224, %dma_start3A_225] : memref<270000x128xf32, #tpu.memory_space<hbm>> -> memref<270000x128xf32, #tpu.memory_space<hbm>>
        %dma_start3A_227 = tpu.memref_slice %arg14[%while3A_75] : memref<4x!tpu.dma_semaphore, #tpu.memory_space<semaphore_mem>> -> memref<1x!tpu.dma_semaphore, #tpu.memory_space<semaphore_mem>>
        %dma_start3A_228 = tpu.memref_squeeze %dma_start3A_227 : memref<1x!tpu.dma_semaphore, #tpu.memory_space<semaphore_mem>> -> memref<!tpu.dma_semaphore, #tpu.memory_space<semaphore_mem>>
        tpu.enqueue_indirect_dma source(%dma_start3A_226 : memref<270000x128xf32, #tpu.memory_space<hbm>>) target(%dma_start3A_222 : memref<80x128xf32, #tpu.memory_space<vmem>>) offsets(%dma_start3A_223 : memref<80xi32, #tpu.memory_space<vmem>>) semaphore(%dma_start3A_228 : memref<!tpu.dma_semaphore, #tpu.memory_space<semaphore_mem>>)
      } else {
      }
      %add3A_194 = arith.constant 1 : i32
      %add3A_195 = arith.addi %mul3A_122, %add3A_194 : i32
      %dma_wait3A_196 = arith.constant 0 : i32
      %dma_wait3A_197 = arith.constant 0 : i32
      %dma_wait3A_198 = tpu.memref_slice %arg12[%while3A_77, %dma_wait3A_196, %dma_wait3A_197] : memref<2x80x128xf32, #tpu.memory_space<vmem>> -> memref<1x80x128xf32, #tpu.memory_space<vmem>>
      %dma_wait3A_199 = tpu.memref_squeeze %dma_wait3A_198 : memref<1x80x128xf32, #tpu.memory_space<vmem>> -> memref<80x128xf32, #tpu.memory_space<vmem>>
      %dma_wait3A_200 = arith.constant 0 : i32
      %dma_wait3A_201 = tpu.memref_slice %arg11[%add3A_195, %dma_wait3A_200] : memref<125x80xi32, #tpu.memory_space<vmem>> -> memref<1x80xi32, #tpu.memory_space<vmem>>
      %dma_wait3A_202 = tpu.memref_squeeze %dma_wait3A_201 : memref<1x80xi32, #tpu.memory_space<vmem>> -> memref<80xi32, #tpu.memory_space<vmem>>
      %dma_wait3A_203 = arith.constant 0 : i32
      %dma_wait3A_204 = arith.constant 0 : i32
      %dma_wait3A_205 = tpu.memref_slice %arg13[%dma_wait3A_203, %dma_wait3A_204] : memref<10000x128xf32, #tpu.memory_space<vmem_shared>> -> memref<10000x128xf32, #tpu.memory_space<vmem_shared>>
      %dma_wait3A_206 = tpu.memref_slice %arg14[%while3A_79] : memref<4x!tpu.dma_semaphore, #tpu.memory_space<semaphore_mem>> -> memref<1x!tpu.dma_semaphore, #tpu.memory_space<semaphore_mem>>
      %dma_wait3A_207 = tpu.memref_squeeze %dma_wait3A_206 : memref<1x!tpu.dma_semaphore, #tpu.memory_space<semaphore_mem>> -> memref<!tpu.dma_semaphore, #tpu.memory_space<semaphore_mem>>
      tpu.wait_indirect_dma semaphore(%dma_wait3A_207 : memref<!tpu.dma_semaphore, #tpu.memory_space<semaphore_mem>>) src(%dma_wait3A_199 : memref<80x128xf32, #tpu.memory_space<vmem>>) dst(%dma_wait3A_205 : memref<10000x128xf32, #tpu.memory_space<vmem_shared>>)
      %add3A_208 = arith.constant 3 : i32
      %add3A_209 = arith.addi %mul3A_122, %add3A_208 : i32
      %lt3A_210 = arith.constant 125 : i32
      %lt3A_211 = arith.cmpi slt, %add3A_209, %lt3A_210 : i32
      %convert_element_type3A_212 = arith.extui %lt3A_211 : i1 to i32
      %cond3A_213 = arith.constant 0 : i32
      %cond3A_214 = arith.cmpi ne, %convert_element_type3A_212, %cond3A_213 : i32
      scf.if %cond3A_214 {
        %add3A_215 = arith.constant 3 : i32
        %add3A_216 = arith.addi %mul3A_122, %add3A_215 : i32
        %mul3A_217 = arith.constant 80 : i32
        %mul3A_218 = arith.muli %add3A_216, %mul3A_217 : i32
        %dma_start3A_219 = arith.constant 0 : i32
        %dma_start3A_220 = arith.constant 0 : i32
        %dma_start3A_221 = tpu.memref_slice %arg12[%while3A_77, %dma_start3A_219, %dma_start3A_220] : memref<2x80x128xf32, #tpu.memory_space<vmem>> -> memref<1x80x128xf32, #tpu.memory_space<vmem>>
        %dma_start3A_222 = tpu.memref_squeeze %dma_start3A_221 : memref<1x80x128xf32, #tpu.memory_space<vmem>> -> memref<80x128xf32, #tpu.memory_space<vmem>>
        %dma_start3A_223 = tpu.memref_slice %arg10[%mul3A_218] : memref<10000xi32, #tpu.memory_space<vmem>> -> memref<80xi32, #tpu.memory_space<vmem>>
        %dma_start3A_224 = arith.constant 0 : i32
        %dma_start3A_225 = arith.constant 0 : i32
        %dma_start3A_226 = tpu.memref_slice %arg2[%dma_start3A_224, %dma_start3A_225] : memref<270000x128xf32, #tpu.memory_space<hbm>> -> memref<270000x128xf32, #tpu.memory_space<hbm>>
        %dma_start3A_227 = tpu.memref_slice %arg14[%while3A_78] : memref<4x!tpu.dma_semaphore, #tpu.memory_space<semaphore_mem>> -> memref<1x!tpu.dma_semaphore, #tpu.memory_space<semaphore_mem>>
        %dma_start3A_228 = tpu.memref_squeeze %dma_start3A_227 : memref<1x!tpu.dma_semaphore, #tpu.memory_space<semaphore_mem>> -> memref<!tpu.dma_semaphore, #tpu.memory_space<semaphore_mem>>
        tpu.enqueue_indirect_dma source(%dma_start3A_226 : memref<270000x128xf32, #tpu.memory_space<hbm>>) target(%dma_start3A_222 : memref<80x128xf32, #tpu.memory_space<vmem>>) offsets(%dma_start3A_223 : memref<80xi32, #tpu.memory_space<vmem>>) semaphore(%dma_start3A_228 : memref<!tpu.dma_semaphore, #tpu.memory_space<semaphore_mem>>)
      } else {
      }
    }
    %while3A_89 = arith.constant 1 : i32
    scf.for %while3A_120 = %while3A_87 to %while3A_83 step %while3A_89  : i32 {
      %mul3A_121 = arith.constant 2 : i32
      %mul3A_122 = arith.muli %while3A_120, %mul3A_121 : i32
      %mul3A_123 = arith.constant 80 : i32
      %mul3A_124 = arith.muli %mul3A_122, %mul3A_123 : i32
      %dma_wait3A_125 = arith.constant 0 : i32
      %dma_wait3A_126 = arith.constant 0 : i32
      %dma_wait3A_127 = tpu.memref_slice %arg12[%while3A_74, %dma_wait3A_125, %dma_wait3A_126] : memref<2x80x128xf32, #tpu.memory_space<vmem>> -> memref<1x80x128xf32, #tpu.memory_space<vmem>>
      %dma_wait3A_128 = tpu.memref_squeeze %dma_wait3A_127 : memref<1x80x128xf32, #tpu.memory_space<vmem>> -> memref<80x128xf32, #tpu.memory_space<vmem>>
      %dma_wait3A_129 = tpu.memref_slice %arg10[%mul3A_124] : memref<10000xi32, #tpu.memory_space<vmem>> -> memref<80xi32, #tpu.memory_space<vmem>>
      %dma_wait3A_130 = arith.constant 0 : i32
      %dma_wait3A_131 = arith.constant 0 : i32
      %dma_wait3A_132 = tpu.memref_slice %arg2[%dma_wait3A_130, %dma_wait3A_131] : memref<270000x128xf32, #tpu.memory_space<hbm>> -> memref<270000x128xf32, #tpu.memory_space<hbm>>
      %dma_wait3A_133 = tpu.memref_slice %arg14[%while3A_75] : memref<4x!tpu.dma_semaphore, #tpu.memory_space<semaphore_mem>> -> memref<1x!tpu.dma_semaphore, #tpu.memory_space<semaphore_mem>>
      %dma_wait3A_134 = tpu.memref_squeeze %dma_wait3A_133 : memref<1x!tpu.dma_semaphore, #tpu.memory_space<semaphore_mem>> -> memref<!tpu.dma_semaphore, #tpu.memory_space<semaphore_mem>>
      tpu.wait_indirect_dma semaphore(%dma_wait3A_134 : memref<!tpu.dma_semaphore, #tpu.memory_space<semaphore_mem>>) src(%dma_wait3A_132 : memref<270000x128xf32, #tpu.memory_space<hbm>>) dst(%dma_wait3A_128 : memref<80x128xf32, #tpu.memory_space<vmem>>)
      %dma_start3A_135 = arith.constant 0 : i32
      %dma_start3A_136 = arith.constant 0 : i32
      %dma_start3A_137 = tpu.memref_slice %arg12[%while3A_74, %dma_start3A_135, %dma_start3A_136] : memref<2x80x128xf32, #tpu.memory_space<vmem>> -> memref<1x80x128xf32, #tpu.memory_space<vmem>>
      %dma_start3A_138 = tpu.memref_squeeze %dma_start3A_137 : memref<1x80x128xf32, #tpu.memory_space<vmem>> -> memref<80x128xf32, #tpu.memory_space<vmem>>
      %dma_start3A_139 = arith.constant 0 : i32
      %dma_start3A_140 = tpu.memref_slice %arg11[%mul3A_122, %dma_start3A_139] : memref<125x80xi32, #tpu.memory_space<vmem>> -> memref<1x80xi32, #tpu.memory_space<vmem>>
      %dma_start3A_141 = tpu.memref_squeeze %dma_start3A_140 : memref<1x80xi32, #tpu.memory_space<vmem>> -> memref<80xi32, #tpu.memory_space<vmem>>
      %dma_start3A_142 = arith.constant 0 : i32
      %dma_start3A_143 = arith.constant 0 : i32
      %dma_start3A_144 = tpu.memref_slice %arg13[%dma_start3A_142, %dma_start3A_143] : memref<10000x128xf32, #tpu.memory_space<vmem_shared>> -> memref<10000x128xf32, #tpu.memory_space<vmem_shared>>
      %dma_start3A_145 = tpu.memref_slice %arg14[%while3A_76] : memref<4x!tpu.dma_semaphore, #tpu.memory_space<semaphore_mem>> -> memref<1x!tpu.dma_semaphore, #tpu.memory_space<semaphore_mem>>
      %dma_start3A_146 = tpu.memref_squeeze %dma_start3A_145 : memref<1x!tpu.dma_semaphore, #tpu.memory_space<semaphore_mem>> -> memref<!tpu.dma_semaphore, #tpu.memory_space<semaphore_mem>>
      tpu.enqueue_indirect_dma source(%dma_start3A_138 : memref<80x128xf32, #tpu.memory_space<vmem>>) target(%dma_start3A_144 : memref<10000x128xf32, #tpu.memory_space<vmem_shared>>) offsets(%dma_start3A_141 : memref<80xi32, #tpu.memory_space<vmem>>) semaphore(%dma_start3A_146 : memref<!tpu.dma_semaphore, #tpu.memory_space<semaphore_mem>>) {add = true}
      %add3A_147 = arith.constant 1 : i32
      %add3A_148 = arith.addi %mul3A_122, %add3A_147 : i32
      %mul3A_149 = arith.constant 80 : i32
      %mul3A_150 = arith.muli %add3A_148, %mul3A_149 : i32
      %dma_wait3A_151 = arith.constant 0 : i32
      %dma_wait3A_152 = arith.constant 0 : i32
      %dma_wait3A_153 = tpu.memref_slice %arg12[%while3A_77, %dma_wait3A_151, %dma_wait3A_152] : memref<2x80x128xf32, #tpu.memory_space<vmem>> -> memref<1x80x128xf32, #tpu.memory_space<vmem>>
      %dma_wait3A_154 = tpu.memref_squeeze %dma_wait3A_153 : memref<1x80x128xf32, #tpu.memory_space<vmem>> -> memref<80x128xf32, #tpu.memory_space<vmem>>
      %dma_wait3A_155 = tpu.memref_slice %arg10[%mul3A_150] : memref<10000xi32, #tpu.memory_space<vmem>> -> memref<80xi32, #tpu.memory_space<vmem>>
      %dma_wait3A_156 = arith.constant 0 : i32
      %dma_wait3A_157 = arith.constant 0 : i32
      %dma_wait3A_158 = tpu.memref_slice %arg2[%dma_wait3A_156, %dma_wait3A_157] : memref<270000x128xf32, #tpu.memory_space<hbm>> -> memref<270000x128xf32, #tpu.memory_space<hbm>>
      %dma_wait3A_159 = tpu.memref_slice %arg14[%while3A_78] : memref<4x!tpu.dma_semaphore, #tpu.memory_space<semaphore_mem>> -> memref<1x!tpu.dma_semaphore, #tpu.memory_space<semaphore_mem>>
      %dma_wait3A_160 = tpu.memref_squeeze %dma_wait3A_159 : memref<1x!tpu.dma_semaphore, #tpu.memory_space<semaphore_mem>> -> memref<!tpu.dma_semaphore, #tpu.memory_space<semaphore_mem>>
      tpu.wait_indirect_dma semaphore(%dma_wait3A_160 : memref<!tpu.dma_semaphore, #tpu.memory_space<semaphore_mem>>) src(%dma_wait3A_158 : memref<270000x128xf32, #tpu.memory_space<hbm>>) dst(%dma_wait3A_154 : memref<80x128xf32, #tpu.memory_space<vmem>>)
      %add3A_161 = arith.constant 1 : i32
      %add3A_162 = arith.addi %mul3A_122, %add3A_161 : i32
      %dma_start3A_163 = arith.constant 0 : i32
      %dma_start3A_164 = arith.constant 0 : i32
      %dma_start3A_165 = tpu.memref_slice %arg12[%while3A_77, %dma_start3A_163, %dma_start3A_164] : memref<2x80x128xf32, #tpu.memory_space<vmem>> -> memref<1x80x128xf32, #tpu.memory_space<vmem>>
      %dma_start3A_166 = tpu.memref_squeeze %dma_start3A_165 : memref<1x80x128xf32, #tpu.memory_space<vmem>> -> memref<80x128xf32, #tpu.memory_space<vmem>>
      %dma_start3A_167 = arith.constant 0 : i32
      %dma_start3A_168 = tpu.memref_slice %arg11[%add3A_162, %dma_start3A_167] : memref<125x80xi32, #tpu.memory_space<vmem>> -> memref<1x80xi32, #tpu.memory_space<vmem>>
      %dma_start3A_169 = tpu.memref_squeeze %dma_start3A_168 : memref<1x80xi32, #tpu.memory_space<vmem>> -> memref<80xi32, #tpu.memory_space<vmem>>
      %dma_start3A_170 = arith.constant 0 : i32
      %dma_start3A_171 = arith.constant 0 : i32
      %dma_start3A_172 = tpu.memref_slice %arg13[%dma_start3A_170, %dma_start3A_171] : memref<10000x128xf32, #tpu.memory_space<vmem_shared>> -> memref<10000x128xf32, #tpu.memory_space<vmem_shared>>
      %dma_start3A_173 = tpu.memref_slice %arg14[%while3A_79] : memref<4x!tpu.dma_semaphore, #tpu.memory_space<semaphore_mem>> -> memref<1x!tpu.dma_semaphore, #tpu.memory_space<semaphore_mem>>
      %dma_start3A_174 = tpu.memref_squeeze %dma_start3A_173 : memref<1x!tpu.dma_semaphore, #tpu.memory_space<semaphore_mem>> -> memref<!tpu.dma_semaphore, #tpu.memory_space<semaphore_mem>>
      tpu.enqueue_indirect_dma source(%dma_start3A_166 : memref<80x128xf32, #tpu.memory_space<vmem>>) target(%dma_start3A_172 : memref<10000x128xf32, #tpu.memory_space<vmem_shared>>) offsets(%dma_start3A_169 : memref<80xi32, #tpu.memory_space<vmem>>) semaphore(%dma_start3A_174 : memref<!tpu.dma_semaphore, #tpu.memory_space<semaphore_mem>>) {add = true}
      %dma_wait3A_175 = arith.constant 0 : i32
      %dma_wait3A_176 = arith.constant 0 : i32
      %dma_wait3A_177 = tpu.memref_slice %arg12[%while3A_74, %dma_wait3A_175, %dma_wait3A_176] : memref<2x80x128xf32, #tpu.memory_space<vmem>> -> memref<1x80x128xf32, #tpu.memory_space<vmem>>
      %dma_wait3A_178 = tpu.memref_squeeze %dma_wait3A_177 : memref<1x80x128xf32, #tpu.memory_space<vmem>> -> memref<80x128xf32, #tpu.memory_space<vmem>>
      %dma_wait3A_179 = arith.constant 0 : i32
      %dma_wait3A_180 = tpu.memref_slice %arg11[%mul3A_122, %dma_wait3A_179] : memref<125x80xi32, #tpu.memory_space<vmem>> -> memref<1x80xi32, #tpu.memory_space<vmem>>
      %dma_wait3A_181 = tpu.memref_squeeze %dma_wait3A_180 : memref<1x80xi32, #tpu.memory_space<vmem>> -> memref<80xi32, #tpu.memory_space<vmem>>
      %dma_wait3A_182 = arith.constant 0 : i32
      %dma_wait3A_183 = arith.constant 0 : i32
      %dma_wait3A_184 = tpu.memref_slice %arg13[%dma_wait3A_182, %dma_wait3A_183] : memref<10000x128xf32, #tpu.memory_space<vmem_shared>> -> memref<10000x128xf32, #tpu.memory_space<vmem_shared>>
      %dma_wait3A_185 = tpu.memref_slice %arg14[%while3A_76] : memref<4x!tpu.dma_semaphore, #tpu.memory_space<semaphore_mem>> -> memref<1x!tpu.dma_semaphore, #tpu.memory_space<semaphore_mem>>
      %dma_wait3A_186 = tpu.memref_squeeze %dma_wait3A_185 : memref<1x!tpu.dma_semaphore, #tpu.memory_space<semaphore_mem>> -> memref<!tpu.dma_semaphore, #tpu.memory_space<semaphore_mem>>
      tpu.wait_indirect_dma semaphore(%dma_wait3A_186 : memref<!tpu.dma_semaphore, #tpu.memory_space<semaphore_mem>>) src(%dma_wait3A_178 : memref<80x128xf32, #tpu.memory_space<vmem>>) dst(%dma_wait3A_184 : memref<10000x128xf32, #tpu.memory_space<vmem_shared>>)
      %add3A_187 = arith.constant 2 : i32
      %add3A_188 = arith.addi %mul3A_122, %add3A_187 : i32
      %lt3A_189 = arith.constant 125 : i32
      %lt3A_190 = arith.cmpi slt, %add3A_188, %lt3A_189 : i32
      %convert_element_type3A_191 = arith.extui %lt3A_190 : i1 to i32
      %cond3A_192 = arith.constant 0 : i32
      %cond3A_193 = arith.cmpi ne, %convert_element_type3A_191, %cond3A_192 : i32
      scf.if %cond3A_193 {
        %add3A_215 = arith.constant 2 : i32
        %add3A_216 = arith.addi %mul3A_122, %add3A_215 : i32
        %mul3A_217 = arith.constant 80 : i32
        %mul3A_218 = arith.muli %add3A_216, %mul3A_217 : i32
        %dma_start3A_219 = arith.constant 0 : i32
        %dma_start3A_220 = arith.constant 0 : i32
        %dma_start3A_221 = tpu.memref_slice %arg12[%while3A_74, %dma_start3A_219, %dma_start3A_220] : memref<2x80x128xf32, #tpu.memory_space<vmem>> -> memref<1x80x128xf32, #tpu.memory_space<vmem>>
        %dma_start3A_222 = tpu.memref_squeeze %dma_start3A_221 : memref<1x80x128xf32, #tpu.memory_space<vmem>> -> memref<80x128xf32, #tpu.memory_space<vmem>>
        %dma_start3A_223 = tpu.memref_slice %arg10[%mul3A_218] : memref<10000xi32, #tpu.memory_space<vmem>> -> memref<80xi32, #tpu.memory_space<vmem>>
        %dma_start3A_224 = arith.constant 0 : i32
        %dma_start3A_225 = arith.constant 0 : i32
        %dma_start3A_226 = tpu.memref_slice %arg2[%dma_start3A_224, %dma_start3A_225] : memref<270000x128xf32, #tpu.memory_space<hbm>> -> memref<270000x128xf32, #tpu.memory_space<hbm>>
        %dma_start3A_227 = tpu.memref_slice %arg14[%while3A_75] : memref<4x!tpu.dma_semaphore, #tpu.memory_space<semaphore_mem>> -> memref<1x!tpu.dma_semaphore, #tpu.memory_space<semaphore_mem>>
        %dma_start3A_228 = tpu.memref_squeeze %dma_start3A_227 : memref<1x!tpu.dma_semaphore, #tpu.memory_space<semaphore_mem>> -> memref<!tpu.dma_semaphore, #tpu.memory_space<semaphore_mem>>
        tpu.enqueue_indirect_dma source(%dma_start3A_226 : memref<270000x128xf32, #tpu.memory_space<hbm>>) target(%dma_start3A_222 : memref<80x128xf32, #tpu.memory_space<vmem>>) offsets(%dma_start3A_223 : memref<80xi32, #tpu.memory_space<vmem>>) semaphore(%dma_start3A_228 : memref<!tpu.dma_semaphore, #tpu.memory_space<semaphore_mem>>)
      } else {
      }
      %add3A_194 = arith.constant 1 : i32
      %add3A_195 = arith.addi %mul3A_122, %add3A_194 : i32
      %dma_wait3A_196 = arith.constant 0 : i32
      %dma_wait3A_197 = arith.constant 0 : i32
      %dma_wait3A_198 = tpu.memref_slice %arg12[%while3A_77, %dma_wait3A_196, %dma_wait3A_197] : memref<2x80x128xf32, #tpu.memory_space<vmem>> -> memref<1x80x128xf32, #tpu.memory_space<vmem>>
      %dma_wait3A_199 = tpu.memref_squeeze %dma_wait3A_198 : memref<1x80x128xf32, #tpu.memory_space<vmem>> -> memref<80x128xf32, #tpu.memory_space<vmem>>
      %dma_wait3A_200 = arith.constant 0 : i32
      %dma_wait3A_201 = tpu.memref_slice %arg11[%add3A_195, %dma_wait3A_200] : memref<125x80xi32, #tpu.memory_space<vmem>> -> memref<1x80xi32, #tpu.memory_space<vmem>>
      %dma_wait3A_202 = tpu.memref_squeeze %dma_wait3A_201 : memref<1x80xi32, #tpu.memory_space<vmem>> -> memref<80xi32, #tpu.memory_space<vmem>>
      %dma_wait3A_203 = arith.constant 0 : i32
      %dma_wait3A_204 = arith.constant 0 : i32
      %dma_wait3A_205 = tpu.memref_slice %arg13[%dma_wait3A_203, %dma_wait3A_204] : memref<10000x128xf32, #tpu.memory_space<vmem_shared>> -> memref<10000x128xf32, #tpu.memory_space<vmem_shared>>
      %dma_wait3A_206 = tpu.memref_slice %arg14[%while3A_79] : memref<4x!tpu.dma_semaphore, #tpu.memory_space<semaphore_mem>> -> memref<1x!tpu.dma_semaphore, #tpu.memory_space<semaphore_mem>>
      %dma_wait3A_207 = tpu.memref_squeeze %dma_wait3A_206 : memref<1x!tpu.dma_semaphore, #tpu.memory_space<semaphore_mem>> -> memref<!tpu.dma_semaphore, #tpu.memory_space<semaphore_mem>>
      tpu.wait_indirect_dma semaphore(%dma_wait3A_207 : memref<!tpu.dma_semaphore, #tpu.memory_space<semaphore_mem>>) src(%dma_wait3A_199 : memref<80x128xf32, #tpu.memory_space<vmem>>) dst(%dma_wait3A_205 : memref<10000x128xf32, #tpu.memory_space<vmem_shared>>)
      %add3A_208 = arith.constant 3 : i32
      %add3A_209 = arith.addi %mul3A_122, %add3A_208 : i32
      %lt3A_210 = arith.constant 125 : i32
      %lt3A_211 = arith.cmpi slt, %add3A_209, %lt3A_210 : i32
      %convert_element_type3A_212 = arith.extui %lt3A_211 : i1 to i32
      %cond3A_213 = arith.constant 0 : i32
      %cond3A_214 = arith.cmpi ne, %convert_element_type3A_212, %cond3A_213 : i32
      scf.if %cond3A_214 {
        %add3A_215 = arith.constant 3 : i32
        %add3A_216 = arith.addi %mul3A_122, %add3A_215 : i32
        %mul3A_217 = arith.constant 80 : i32
        %mul3A_218 = arith.muli %add3A_216, %mul3A_217 : i32
        %dma_start3A_219 = arith.constant 0 : i32
        %dma_start3A_220 = arith.constant 0 : i32
        %dma_start3A_221 = tpu.memref_slice %arg12[%while3A_77, %dma_start3A_219, %dma_start3A_220] : memref<2x80x128xf32, #tpu.memory_space<vmem>> -> memref<1x80x128xf32, #tpu.memory_space<vmem>>
        %dma_start3A_222 = tpu.memref_squeeze %dma_start3A_221 : memref<1x80x128xf32, #tpu.memory_space<vmem>> -> memref<80x128xf32, #tpu.memory_space<vmem>>
        %dma_start3A_223 = tpu.memref_slice %arg10[%mul3A_218] : memref<10000xi32, #tpu.memory_space<vmem>> -> memref<80xi32, #tpu.memory_space<vmem>>
        %dma_start3A_224 = arith.constant 0 : i32
        %dma_start3A_225 = arith.constant 0 : i32
        %dma_start3A_226 = tpu.memref_slice %arg2[%dma_start3A_224, %dma_start3A_225] : memref<270000x128xf32, #tpu.memory_space<hbm>> -> memref<270000x128xf32, #tpu.memory_space<hbm>>
        %dma_start3A_227 = tpu.memref_slice %arg14[%while3A_78] : memref<4x!tpu.dma_semaphore, #tpu.memory_space<semaphore_mem>> -> memref<1x!tpu.dma_semaphore, #tpu.memory_space<semaphore_mem>>
        %dma_start3A_228 = tpu.memref_squeeze %dma_start3A_227 : memref<1x!tpu.dma_semaphore, #tpu.memory_space<semaphore_mem>> -> memref<!tpu.dma_semaphore, #tpu.memory_space<semaphore_mem>>
        tpu.enqueue_indirect_dma source(%dma_start3A_226 : memref<270000x128xf32, #tpu.memory_space<hbm>>) target(%dma_start3A_222 : memref<80x128xf32, #tpu.memory_space<vmem>>) offsets(%dma_start3A_223 : memref<80xi32, #tpu.memory_space<vmem>>) semaphore(%dma_start3A_228 : memref<!tpu.dma_semaphore, #tpu.memory_space<semaphore_mem>>)
      } else {
      }
    }
    %mul3A_90 = arith.constant 124 : i32
    %mul3A_91 = arith.constant 80 : i32
    %mul3A_92 = arith.muli %mul3A_90, %mul3A_91 : i32
    %dma_wait3A = arith.constant 0 : i32
    %dma_wait3A_93 = arith.constant 0 : i32
    %dma_wait3A_94 = arith.constant 0 : i32
    %dma_wait3A_95 = arith.constant 0 : i32
    %dma_wait3A_96 = tpu.memref_slice %arg12[%dma_wait3A, %dma_wait3A_94, %dma_wait3A_95] : memref<2x80x128xf32, #tpu.memory_space<vmem>> -> memref<1x80x128xf32, #tpu.memory_space<vmem>>
    %dma_wait3A_97 = tpu.memref_squeeze %dma_wait3A_96 : memref<1x80x128xf32, #tpu.memory_space<vmem>> -> memref<80x128xf32, #tpu.memory_space<vmem>>
    %dma_wait3A_98 = tpu.memref_slice %arg10[%mul3A_92] : memref<10000xi32, #tpu.memory_space<vmem>> -> memref<80xi32, #tpu.memory_space<vmem>>
    %dma_wait3A_99 = arith.constant 0 : i32
    %dma_wait3A_100 = arith.constant 0 : i32
    %dma_wait3A_101 = tpu.memref_slice %arg2[%dma_wait3A_99, %dma_wait3A_100] : memref<270000x128xf32, #tpu.memory_space<hbm>> -> memref<270000x128xf32, #tpu.memory_space<hbm>>
    %dma_wait3A_102 = tpu.memref_slice %arg14[%dma_wait3A_93] : memref<4x!tpu.dma_semaphore, #tpu.memory_space<semaphore_mem>> -> memref<1x!tpu.dma_semaphore, #tpu.memory_space<semaphore_mem>>
    %dma_wait3A_103 = tpu.memref_squeeze %dma_wait3A_102 : memref<1x!tpu.dma_semaphore, #tpu.memory_space<semaphore_mem>> -> memref<!tpu.dma_semaphore, #tpu.memory_space<semaphore_mem>>
    tpu.wait_indirect_dma semaphore(%dma_wait3A_103 : memref<!tpu.dma_semaphore, #tpu.memory_space<semaphore_mem>>) src(%dma_wait3A_101 : memref<270000x128xf32, #tpu.memory_space<hbm>>) dst(%dma_wait3A_97 : memref<80x128xf32, #tpu.memory_space<vmem>>)
    %run_scoped3A_104 = arith.constant 0 : i32
    %run_scoped3A_105 = arith.constant 124 : i32
    "tpu.region"() ({
      %run_scoped3A_120 = tpu.sem_alloc : memref<!tpu.dma_semaphore, #tpu.memory_space<semaphore_mem>>
      %dma_start3A_121 = arith.constant 0 : i32
      %dma_start3A_122 = arith.constant 0 : i32
      %dma_start3A_123 = tpu.memref_slice %arg12[%run_scoped3A_104, %dma_start3A_121, %dma_start3A_122] : memref<2x80x128xf32, #tpu.memory_space<vmem>> -> memref<1x80x128xf32, #tpu.memory_space<vmem>>
      %dma_start3A_124 = tpu.memref_squeeze %dma_start3A_123 : memref<1x80x128xf32, #tpu.memory_space<vmem>> -> memref<80x128xf32, #tpu.memory_space<vmem>>
      %dma_start3A_125 = arith.constant 0 : i32
      %dma_start3A_126 = tpu.memref_slice %arg11[%run_scoped3A_105, %dma_start3A_125] : memref<125x80xi32, #tpu.memory_space<vmem>> -> memref<1x80xi32, #tpu.memory_space<vmem>>
      %dma_start3A_127 = tpu.memref_squeeze %dma_start3A_126 : memref<1x80xi32, #tpu.memory_space<vmem>> -> memref<80xi32, #tpu.memory_space<vmem>>
      %dma_start3A_128 = arith.constant 0 : i32
      %dma_start3A_129 = arith.constant 0 : i32
      %dma_start3A_130 = tpu.memref_slice %arg13[%dma_start3A_128, %dma_start3A_129] : memref<10000x128xf32, #tpu.memory_space<vmem_shared>> -> memref<10000x128xf32, #tpu.memory_space<vmem_shared>>
      tpu.enqueue_indirect_dma source(%dma_start3A_124 : memref<80x128xf32, #tpu.memory_space<vmem>>) target(%dma_start3A_130 : memref<10000x128xf32, #tpu.memory_space<vmem_shared>>) offsets(%dma_start3A_127 : memref<80xi32, #tpu.memory_space<vmem>>) semaphore(%run_scoped3A_120 : memref<!tpu.dma_semaphore, #tpu.memory_space<semaphore_mem>>) {add = true}
      %dma_wait3A_131 = arith.constant 0 : i32
      %dma_wait3A_132 = arith.constant 0 : i32
      %dma_wait3A_133 = tpu.memref_slice %arg12[%run_scoped3A_104, %dma_wait3A_131, %dma_wait3A_132] : memref<2x80x128xf32, #tpu.memory_space<vmem>> -> memref<1x80x128xf32, #tpu.memory_space<vmem>>
      %dma_wait3A_134 = tpu.memref_squeeze %dma_wait3A_133 : memref<1x80x128xf32, #tpu.memory_space<vmem>> -> memref<80x128xf32, #tpu.memory_space<vmem>>
      %dma_wait3A_135 = arith.constant 0 : i32
      %dma_wait3A_136 = tpu.memref_slice %arg11[%run_scoped3A_105, %dma_wait3A_135] : memref<125x80xi32, #tpu.memory_space<vmem>> -> memref<1x80xi32, #tpu.memory_space<vmem>>
      %dma_wait3A_137 = tpu.memref_squeeze %dma_wait3A_136 : memref<1x80xi32, #tpu.memory_space<vmem>> -> memref<80xi32, #tpu.memory_space<vmem>>
      %dma_wait3A_138 = arith.constant 0 : i32
      %dma_wait3A_139 = arith.constant 0 : i32
      %dma_wait3A_140 = tpu.memref_slice %arg13[%dma_wait3A_138, %dma_wait3A_139] : memref<10000x128xf32, #tpu.memory_space<vmem_shared>> -> memref<10000x128xf32, #tpu.memory_space<vmem_shared>>
      tpu.wait_indirect_dma semaphore(%run_scoped3A_120 : memref<!tpu.dma_semaphore, #tpu.memory_space<semaphore_mem>>) src(%dma_wait3A_134 : memref<80x128xf32, #tpu.memory_space<vmem>>) dst(%dma_wait3A_140 : memref<10000x128xf32, #tpu.memory_space<vmem_shared>>)
      tpu.yield
    }) : () -> ()
    %barrier3A_106 = arith.constant 0 : index
    tpu.barrier barrier_id(%barrier3A_106)
    %mul3A_107 = arith.constant 10000 : i32
    %mul3A_108 = arith.muli %arg0, %mul3A_107 : i32
    %add3A_109 = arith.addi %mul3A_108, %mul3A_4 : i32
    %lt3A_110 = arith.constant 15 : i32
    %lt3A_111 = arith.cmpi slt, %arg1, %lt3A_110 : i32
    %convert_element_type3A_112 = arith.extui %lt3A_111 : i1 to i32
    %cond3A_113 = arith.constant 0 : i32
    %cond3A_114 = arith.cmpi ne, %convert_element_type3A_112, %cond3A_113 : i32
    scf.if %cond3A_114 {
      "tpu.region"() ({
        %run_scoped3A_120 = tpu.sem_alloc : memref<!tpu.dma_semaphore, #tpu.memory_space<semaphore_mem>>
        %dma_start3A_121 = arith.constant 0 : i32
        %dma_start3A_122 = tpu.memref_slice %arg7[%add3A_109, %dma_start3A_121] : memref<20000x128xf32, #tpu.memory_space<hbm>> -> memref<624x128xf32, #tpu.memory_space<hbm>>
        %dma_start3A_123 = arith.constant 0 : i32
        %dma_start3A_124 = tpu.memref_slice %arg13[%mul3A_4, %dma_start3A_123] : memref<10000x128xf32, #tpu.memory_space<vmem_shared>> -> memref<624x128xf32, #tpu.memory_space<vmem_shared>>
        tpu.enqueue_dma source(%dma_start3A_124 : memref<624x128xf32, #tpu.memory_space<vmem_shared>>) target(%dma_start3A_122 : memref<624x128xf32, #tpu.memory_space<hbm>>) target_semaphore(%run_scoped3A_120 : memref<!tpu.dma_semaphore, #tpu.memory_space<semaphore_mem>>)
        %dma_wait3A_125 = arith.constant 0 : i32
        %dma_wait3A_126 = tpu.memref_slice %arg7[%add3A_109, %dma_wait3A_125] : memref<20000x128xf32, #tpu.memory_space<hbm>> -> memref<624x128xf32, #tpu.memory_space<hbm>>
        %dma_wait3A_127 = arith.constant 0 : i32
        %dma_wait3A_128 = tpu.memref_slice %arg13[%mul3A_4, %dma_wait3A_127] : memref<10000x128xf32, #tpu.memory_space<vmem_shared>> -> memref<624x128xf32, #tpu.memory_space<vmem_shared>>
        tpu.wait_dma2 semaphore(%run_scoped3A_120 : memref<!tpu.dma_semaphore, #tpu.memory_space<semaphore_mem>>) src(%dma_wait3A_128 : memref<624x128xf32, #tpu.memory_space<vmem_shared>>) dst(%dma_wait3A_126 : memref<624x128xf32, #tpu.memory_space<hbm>>)
        tpu.yield
      }) : () -> ()
    } else {
    }
    %eq3A_115 = arith.constant 15 : i32
    %eq3A_116 = arith.cmpi eq, %arg1, %eq3A_115 : i32
    %convert_element_type3A_117 = arith.extui %eq3A_116 : i1 to i32
    %cond3A_118 = arith.constant 0 : i32
    %cond3A_119 = arith.cmpi ne, %convert_element_type3A_117, %cond3A_118 : i32
    scf.if %cond3A_119 {
      "tpu.region"() ({
        %run_scoped3A_120 = tpu.sem_alloc : memref<!tpu.dma_semaphore, #tpu.memory_space<semaphore_mem>>
        %dma_start3A_121 = arith.constant 0 : i32
        %dma_start3A_122 = tpu.memref_slice %arg7[%add3A_109, %dma_start3A_121] : memref<20000x128xf32, #tpu.memory_space<hbm>> -> memref<640x128xf32, #tpu.memory_space<hbm>>
        %dma_start3A_123 = arith.constant 0 : i32
        %dma_start3A_124 = tpu.memref_slice %arg13[%mul3A_4, %dma_start3A_123] : memref<10000x128xf32, #tpu.memory_space<vmem_shared>> -> memref<640x128xf32, #tpu.memory_space<vmem_shared>>
        tpu.enqueue_dma source(%dma_start3A_124 : memref<640x128xf32, #tpu.memory_space<vmem_shared>>) target(%dma_start3A_122 : memref<640x128xf32, #tpu.memory_space<hbm>>) target_semaphore(%run_scoped3A_120 : memref<!tpu.dma_semaphore, #tpu.memory_space<semaphore_mem>>)
        %dma_wait3A_125 = arith.constant 0 : i32
        %dma_wait3A_126 = tpu.memref_slice %arg7[%add3A_109, %dma_wait3A_125] : memref<20000x128xf32, #tpu.memory_space<hbm>> -> memref<640x128xf32, #tpu.memory_space<hbm>>
        %dma_wait3A_127 = arith.constant 0 : i32
        %dma_wait3A_128 = tpu.memref_slice %arg13[%mul3A_4, %dma_wait3A_127] : memref<10000x128xf32, #tpu.memory_space<vmem_shared>> -> memref<640x128xf32, #tpu.memory_space<vmem_shared>>
        tpu.wait_dma2 semaphore(%run_scoped3A_120 : memref<!tpu.dma_semaphore, #tpu.memory_space<semaphore_mem>>) src(%dma_wait3A_128 : memref<640x128xf32, #tpu.memory_space<vmem_shared>>) dst(%dma_wait3A_126 : memref<640x128xf32, #tpu.memory_space<hbm>>)
        tpu.yield
      }) : () -> ()
    } else {
    }
    return
  }
}

module attributes {stable_mosaic.version = 14 : i64} {
  func.func @_bnfused_body(%arg0: i32, %arg1: memref<2000x128xf32, #tpu.memory_space<vmem>>, %arg2: memref<2000x128xf32, #tpu.memory_space<vmem>>, %arg3: memref<1x128xf32, #tpu.memory_space<vmem>>, %arg4: memref<1x128xf32, #tpu.memory_space<vmem>>, %arg5: memref<2000x128xf32, #tpu.memory_space<vmem>>, %arg6: memref<2x128xf32, #tpu.memory_space<vmem>>) attributes {dimension_semantics = [#tpu.dimension_semantics<arbitrary>], iteration_bounds = array<i64: 10>, scalar_prefetch = 0 : i64, scratch_operands = 1 : i64, tpu.core_type = #tpu.core_type<tc>, window_params = [{transform_indices = @transform_0, window_bounds = array<i64: 2000, 128>}, {transform_indices = @transform_1, window_bounds = array<i64: 2000, 128>}, {pipeline_mode = #tpu.pipeline_mode<synchronous>, transform_indices = @transform_2, window_bounds = array<i64: 1, 128>}, {pipeline_mode = #tpu.pipeline_mode<synchronous>, transform_indices = @transform_3, window_bounds = array<i64: 1, 128>}, {transform_indices = @transform_4, window_bounds = array<i64: 2000, 128>}]} {
    %lt3A = arith.constant 5 : i32
    %lt3A_0 = arith.cmpi slt, %arg0, %lt3A : i32
    %convert_element_type3A = arith.extui %lt3A_0 : i1 to i32
    %cond3A = arith.constant 0 : i32
    %cond3A_1 = arith.cmpi ne, %convert_element_type3A, %cond3A : i32
    scf.if %cond3A_1 {
      %get3A = arith.constant 0 : index
      %get3A_6 = arith.constant 0 : index
      %get3A_7 = vector.load %arg1[%get3A, %get3A_6] : memref<2000x128xf32, #tpu.memory_space<vmem>>, vector<2000x128xf32>
      %get3A_8 = arith.constant 0 : index
      %get3A_9 = arith.constant 0 : index
      %get3A_10 = vector.load %arg2[%get3A_8, %get3A_9] : memref<2000x128xf32, #tpu.memory_space<vmem>>, vector<2000x128xf32>
      %add3A = arith.addf %get3A_7, %get3A_10 : vector<2000x128xf32>
      %reduce_sum3A = arith.constant dense<0.000000e+00> : vector<128xf32>
      %reduce_sum3A_11 = vector.multi_reduction <add>, %add3A, %reduce_sum3A [0] : vector<2000x128xf32> to vector<128xf32>
      %broadcast_in_dim3A = vector.shape_cast %reduce_sum3A_11 : vector<128xf32> to vector<1x128xf32>
      %mul3A = arith.mulf %add3A, %add3A : vector<2000x128xf32>
      %reduce_sum3A_12 = arith.constant dense<0.000000e+00> : vector<128xf32>
      %reduce_sum3A_13 = vector.multi_reduction <add>, %mul3A, %reduce_sum3A_12 [0] : vector<2000x128xf32> to vector<128xf32>
      %broadcast_in_dim3A_14 = vector.shape_cast %reduce_sum3A_13 : vector<128xf32> to vector<1x128xf32>
      %concatenate3A = tpu.concatenate %broadcast_in_dim3A, %broadcast_in_dim3A_14 in 0 : vector<1x128xf32>, vector<1x128xf32> -> vector<2x128xf32>
      %eq3A = arith.constant 0 : i32
      %eq3A_15 = arith.cmpi eq, %arg0, %eq3A : i32
      %convert_element_type3A_16 = arith.extui %eq3A_15 : i1 to i32
      %cond3A_17 = arith.constant 0 : i32
      %cond3A_18 = arith.cmpi ne, %convert_element_type3A_16, %cond3A_17 : i32
      scf.if %cond3A_18 {
        %swap3A = arith.constant 0 : index
        %swap3A_23 = arith.constant 0 : index
        %swap3A_24 = vector.load %arg6[%swap3A, %swap3A_23] : memref<2x128xf32, #tpu.memory_space<vmem>>, vector<2x128xf32>
        tpu.vector_store %arg6[%swap3A, %swap3A_23], %concatenate3A {strides = array<i32>} : memref<2x128xf32, #tpu.memory_space<vmem>>, vector<2x128xf32>,
      } else {
      }
      %gt3A = arith.constant 0 : i32
      %gt3A_19 = arith.cmpi sgt, %arg0, %gt3A : i32
      %convert_element_type3A_20 = arith.extui %gt3A_19 : i1 to i32
      %cond3A_21 = arith.constant 0 : i32
      %cond3A_22 = arith.cmpi ne, %convert_element_type3A_20, %cond3A_21 : i32
      scf.if %cond3A_22 {
        %get3A_23 = arith.constant 0 : index
        %get3A_24 = arith.constant 0 : index
        %get3A_25 = vector.load %arg6[%get3A_23, %get3A_24] : memref<2x128xf32, #tpu.memory_space<vmem>>, vector<2x128xf32>
        %add3A_26 = arith.addf %get3A_25, %concatenate3A : vector<2x128xf32>
        %swap3A = arith.constant 0 : index
        %swap3A_27 = arith.constant 0 : index
        %swap3A_28 = vector.load %arg6[%swap3A, %swap3A_27] : memref<2x128xf32, #tpu.memory_space<vmem>>, vector<2x128xf32>
        tpu.vector_store %arg6[%swap3A, %swap3A_27], %add3A_26 {strides = array<i32>} : memref<2x128xf32, #tpu.memory_space<vmem>>, vector<2x128xf32>,
      } else {
      }
    } else {
    }
    %ge3A = arith.constant 5 : i32
    %ge3A_2 = arith.cmpi sge, %arg0, %ge3A : i32
    %convert_element_type3A_3 = arith.extui %ge3A_2 : i1 to i32
    %cond3A_4 = arith.constant 0 : i32
    %cond3A_5 = arith.cmpi ne, %convert_element_type3A_3, %cond3A_4 : i32
    scf.if %cond3A_5 {
      %get3A = arith.constant 0 : index
      %get3A_6 = arith.constant 0 : index
      %get3A_7 = vector.load %arg1[%get3A, %get3A_6] : memref<2000x128xf32, #tpu.memory_space<vmem>>, vector<2000x128xf32>
      %get3A_8 = arith.constant 0 : index
      %get3A_9 = arith.constant 0 : index
      %get3A_10 = vector.load %arg2[%get3A_8, %get3A_9] : memref<2000x128xf32, #tpu.memory_space<vmem>>, vector<2000x128xf32>
      %add3A = arith.addf %get3A_7, %get3A_10 : vector<2000x128xf32>
      %get3A_11 = arith.constant 0 : index
      %get3A_12 = arith.constant 0 : index
      %get3A_13 = vector.load %arg6[%get3A_11, %get3A_12] : memref<2x128xf32, #tpu.memory_space<vmem>>, vector<1x128xf32>
      %mul3A = arith.constant 9.99999974E-5 : f32
      %mul3A_14 = vector.broadcast %mul3A : f32 to vector<1x128xf32>
      %mul3A_15 = arith.mulf %get3A_13, %mul3A_14 : vector<1x128xf32>
      %get3A_16 = arith.constant 1 : index
      %get3A_17 = arith.constant 0 : index
      %get3A_18 = vector.load %arg6[%get3A_16, %get3A_17] : memref<2x128xf32, #tpu.memory_space<vmem>>, vector<1x128xf32>
      %mul3A_19 = arith.constant 9.99999974E-5 : f32
      %mul3A_20 = vector.broadcast %mul3A_19 : f32 to vector<1x128xf32>
      %mul3A_21 = arith.mulf %get3A_18, %mul3A_20 : vector<1x128xf32>
      %mul3A_22 = arith.mulf %mul3A_15, %mul3A_15 : vector<1x128xf32>
      %sub3A = arith.subf %mul3A_21, %mul3A_22 : vector<1x128xf32>
      %get3A_23 = arith.constant 0 : index
      %get3A_24 = arith.constant 0 : index
      %get3A_25 = vector.load %arg3[%get3A_23, %get3A_24] : memref<1x128xf32, #tpu.memory_space<vmem>>, vector<1x128xf32>
      %add3A_26 = arith.constant 9.99999974E-6 : f32
      %add3A_27 = vector.broadcast %add3A_26 : f32 to vector<1x128xf32>
      %add3A_28 = arith.addf %sub3A, %add3A_27 : vector<1x128xf32>
      %rsqrt3A = math.rsqrt %add3A_28 : vector<1x128xf32>
      %mul3A_29 = arith.mulf %get3A_25, %rsqrt3A : vector<1x128xf32>
      %sub3A_30 = vector.broadcast %mul3A_15 : vector<1x128xf32> to vector<2000x128xf32>
      %sub3A_31 = arith.subf %add3A, %sub3A_30 : vector<2000x128xf32>
      %mul3A_32 = vector.broadcast %mul3A_29 : vector<1x128xf32> to vector<2000x128xf32>
      %mul3A_33 = arith.mulf %sub3A_31, %mul3A_32 : vector<2000x128xf32>
      %get3A_34 = arith.constant 0 : index
      %get3A_35 = arith.constant 0 : index
      %get3A_36 = vector.load %arg4[%get3A_34, %get3A_35] : memref<1x128xf32, #tpu.memory_space<vmem>>, vector<1x128xf32>
      %add3A_37 = vector.broadcast %get3A_36 : vector<1x128xf32> to vector<2000x128xf32>
      %add3A_38 = arith.addf %mul3A_33, %add3A_37 : vector<2000x128xf32>
      %max3A = arith.constant 0.000000e+00 : f32
      %max3A_39 = vector.broadcast %max3A : f32 to vector<2000x128xf32>
      %max3A_40 = arith.maximumf %add3A_38, %max3A_39 : vector<2000x128xf32>
      %swap3A = arith.constant 0 : index
      %swap3A_41 = arith.constant 0 : index
      %swap3A_42 = vector.load %arg5[%swap3A, %swap3A_41] : memref<2000x128xf32, #tpu.memory_space<vmem>>, vector<2000x128xf32>
      tpu.vector_store %arg5[%swap3A, %swap3A_41], %max3A_40 {strides = array<i32>} : memref<2000x128xf32, #tpu.memory_space<vmem>>, vector<2000x128xf32>,
    } else {
    }
    return
  }
  func.func @transform_0(%arg0: i32) -> (i32, i32) {
    %lt3A = arith.constant 5 : i32
    %lt3A_0 = arith.cmpi slt, %arg0, %lt3A : i32
    %sub3A = arith.constant 5 : i32
    %sub3A_1 = arith.subi %arg0, %sub3A : i32
    %select_n3A = arith.select %lt3A_0, %arg0, %sub3A_1 : i32
    %c0_i32 = arith.constant 0 : i32
    %c0_i32_2 = arith.constant 0 : i32
    return %select_n3A, %c0_i32 : i32, i32
  }
  func.func @transform_1(%arg0: i32) -> (i32, i32) {
    %lt3A = arith.constant 5 : i32
    %lt3A_0 = arith.cmpi slt, %arg0, %lt3A : i32
    %sub3A = arith.constant 5 : i32
    %sub3A_1 = arith.subi %arg0, %sub3A : i32
    %select_n3A = arith.select %lt3A_0, %arg0, %sub3A_1 : i32
    %add3A = arith.constant 5 : i32
    %add3A_2 = arith.addi %add3A, %select_n3A : i32
    %c0_i32 = arith.constant 0 : i32
    %c0_i32_3 = arith.constant 0 : i32
    return %add3A_2, %c0_i32 : i32, i32
  }
  func.func @transform_2(%arg0: i32) -> (i32, i32) {
    %c0_i32 = arith.constant 0 : i32
    %c0_i32_0 = arith.constant 0 : i32
    %c0_i32_1 = arith.constant 0 : i32
    return %c0_i32, %c0_i32_0 : i32, i32
  }
  func.func @transform_3(%arg0: i32) -> (i32, i32) {
    %c0_i32 = arith.constant 0 : i32
    %c0_i32_0 = arith.constant 0 : i32
    %c0_i32_1 = arith.constant 0 : i32
    return %c0_i32, %c0_i32_0 : i32, i32
  }
  func.func @transform_4(%arg0: i32) -> (i32, i32) {
    %lt3A = arith.constant 5 : i32
    %lt3A_0 = arith.cmpi slt, %arg0, %lt3A : i32
    %sub3A = arith.constant 5 : i32
    %sub3A_1 = arith.subi %arg0, %sub3A : i32
    %select_n3A = arith.select %lt3A_0, %arg0, %sub3A_1 : i32
    %c0_i32 = arith.constant 0 : i32
    %c0_i32_2 = arith.constant 0 : i32
    return %select_n3A, %c0_i32 : i32, i32
  }
}

module attributes {stable_mosaic.version = 14 : i64} {
  func.func @_xw_body(%arg0: i32, %arg1: i32, %arg2: memref<2000x128xf32, #tpu.memory_space<vmem>>, %arg3: memref<1x128x128xf32, #tpu.memory_space<vmem>>, %arg4: memref<2000x128xf32, #tpu.memory_space<vmem>>) attributes {dimension_semantics = [#tpu.dimension_semantics<arbitrary>, #tpu.dimension_semantics<arbitrary>], iteration_bounds = array<i64: 5, 27>, scalar_prefetch = 0 : i64, scratch_operands = 0 : i64, tpu.core_type = #tpu.core_type<tc>, window_params = [{transform_indices = @transform_0, window_bounds = array<i64: 2000, 128>}, {transform_indices = @transform_1, window_bounds = array<i64: 1, 128, 128>}, {transform_indices = @transform_2, window_bounds = array<i64: 2000, 128>}]} {
    %get3A = arith.constant 0 : index
    %get3A_0 = arith.constant 0 : index
    %get3A_1 = vector.load %arg2[%get3A, %get3A_0] : memref<2000x128xf32, #tpu.memory_space<vmem>>, vector<2000x128xf32>
    %get3A_2 = arith.constant 0 : index
    %get3A_3 = arith.constant 0 : index
    %get3A_4 = arith.constant 0 : index
    %get3A_5 = vector.load %arg3[%get3A_2, %get3A_3, %get3A_4] : memref<1x128x128xf32, #tpu.memory_space<vmem>>, vector<1x128x128xf32>
    %get3A_6 = vector.shape_cast %get3A_5 : vector<1x128x128xf32> to vector<128x128xf32>
    %dot_general3A = arith.constant dense<0.000000e+00> : vector<2000x128xf32>
    %dot_general3A_7 = tpu.matmul %get3A_1, %get3A_6, %dot_general3A {dimension_numbers = #tpu.dot_dimension_numbers<[1], [0], [0], [1], [0, 0, 1, 1], [], []>, transpose_lhs_hint = false} : vector<2000x128xf32>, vector<128x128xf32>, vector<2000x128xf32> -> vector<2000x128xf32>
    %swap3A = arith.constant 0 : index
    %swap3A_8 = arith.constant 0 : index
    %swap3A_9 = vector.load %arg4[%swap3A, %swap3A_8] : memref<2000x128xf32, #tpu.memory_space<vmem>>, vector<2000x128xf32>
    tpu.vector_store %arg4[%swap3A, %swap3A_8], %dot_general3A_7 {strides = array<i32>} : memref<2000x128xf32, #tpu.memory_space<vmem>>, vector<2000x128xf32>,
    return
  }
  func.func @transform_0(%arg0: i32, %arg1: i32) -> (i32, i32) {
    %c0_i32 = arith.constant 0 : i32
    %c0_i32_0 = arith.constant 0 : i32
    return %arg0, %c0_i32 : i32, i32
  }
  func.func @transform_1(%arg0: i32, %arg1: i32) -> (i32, i32, i32) {
    %c0_i32 = arith.constant 0 : i32
    %c0_i32_0 = arith.constant 0 : i32
    %c0_i32_1 = arith.constant 0 : i32
    return %arg1, %c0_i32, %c0_i32_0 : i32, i32, i32
  }
  func.func @transform_2(%arg0: i32, %arg1: i32) -> (i32, i32) {
    %mul3A = arith.constant 5 : i32
    %mul3A_0 = arith.muli %arg1, %mul3A : i32
    %add3A = arith.addi %mul3A_0, %arg0 : i32
    %c0_i32 = arith.constant 0 : i32
    %c0_i32_1 = arith.constant 0 : i32
    return %add3A, %c0_i32 : i32, i32
  }
}

</mosaic_0001>

<sc_bundles>
// kernel: kernel.5.cloned.1.call-start
scs
__scs_entry_jumppad:
0x0: {  	(pc) =	sbr.rel $0x88, $3  }
0x1: {  	(tag) =	ssettag $0x0;
	lr =	simm.s32 $0x1  }
0x2: {  	[smem:$0x3F9B] =	sst lr;
	_ =	strace $0xD0000000  }
0x3: {  	_ = 	snop  }
0x4: {  	_ = 	snop  }
0x5: {  	_ = 	snop  }
0x6: {  	_ = 	snop  }
0x7: {  	_ = 	snop  }
__scs_overlays_trampoline_lowered:
0x8: {  	[smem:$0x3FAA] =	sst s0  }
0x9: {  	[smem:$0x3FAB] =	sst s1  }
0xa: {  	[smem:$0x3FAC] =	sst s2  }
0xb: {  	[smem:$0x3FAD] =	sst s3  }
0xc: {  	[smem:$0x3FAE] =	sst s4  }
0xd: {  	[smem:$0x3FAF] =	sst s5  }
0xe: {  	[smem:$0x3FB0] =	sst s6  }
0xf: {  	[smem:$0x3FB1] =	sst s7  }
0x10: {  	[smem:$0x3FB2] =	sst s8  }
0x11: {  	[smem:$0x3FB3] =	sst s9;
	s0 =	simm.s32 @!p0 $0x0  }
0x12: {  	s1 =	sld [smem:$0x3F99];
	s0 =	simm.s32 @p0 $0x1  }
0x13: {  	[smem:$0x3FB4] =	sst s0;
	s0 =	simm.s32 @!p1 $0x0  }
0x14: {  	s2 =	sld [smem:$0x3F98];
	s0 =	simm.s32 @p1 $0x1  }
0x15: {  	[smem:$0x3FB5] =	sst s0;
	s0 =	simm.s32 @!p2 $0x0  }
0x16: {  	s3 =	sld [smem:$0x3FDB];
	s0 =	simm.s32 @p2 $0x1  }
0x17: {  	s4 =	simm.s32 $0x1BF5;
	[smem:$0x3FB7] =	sst s0  }
0x18: {  	s0 =	sld [smem:$0x3F9A];
	_ =	swait.ge [sflag:s4], $0x0  }
0x19: {  	s7 =	sld [smem:$0x3F9B]  }
0x1a: {  	s8 =	sadd.s32 $0xFFFFE003, lr  }
0x1b: {  	s9 =	sadd.s32 $0xFFFFFEF7, lr;
	s5 =	simm.s32 $0xFFFFFFFF;
	p2 =	slt.u32 s8, $0xFFFFF086  }
0x1c: {  	p1 =	slt.u32 s9, $0xF7A;
	s5 =	simm.s32 @!p2 $0x0  }
0x1d: {  	s5 =	simm.s32 @p1 $0x1;
	p0 =	seq.s32 s7, s2  }
0x1e: {  	s7 =	smul.u32 @!p0 $0xF7A, s2;
	p2 =	seq.s32 @!p0 s5, $0x0  }
0x1f: {  	s9 =	smul.u32 $0xF7A, s1;
	s8 =	simm.s32 @!p0 $0x1BF5;
	p2 =	por !p2, p0  }
0x20: {  	[sflag:s8] =	ssyncset.s32 @!p0 $0xFFFFF086;
	s6 =	sadd.s32 @!p0 s3, s7;
	s7 =	simm.s32 @!p0 $0x108  }
0x21: {  	s3 =	sadd.s32 s3, s9;
	s6 =	sadd.s32 @!p0 $0x88, s6;
	s7 =	simm.s32 @p2 $0x1082  }
0x22: {  	[simem:s7], [sflag:s8] =	dma.local @!p0 [hbm:s6], $0xF7A  }
0x23: {  	s9 =	sor.u32 $0xD0000000, s2;
	s6 =	simm.s32 $0x108;
	_ =	swait.ge @!p0 [sflag:s8], $0x0  }
0x24: {  	s3 =	sadd.s32 $0x88, s3;
	s6 =	simm.s32 @!p1 $0x1082;
	[sflag:s4] =	ssyncset.s32 $0xFFFFF086  }
0x25: {  	[simem:s6], [sflag:s4] =	dma.local [hbm:s3], $0xF7A  }
0x26: {  	[smem:$0x3F9B] =	sst s1;
	(tag) =	ssettag s2;
	_ =	strace s9  }
0x27: {  	s1 =	sld [smem:$0x3FAB]  }
0x28: {  	s2 =	sld [smem:$0x3FAC]  }
0x29: {  	s4 =	sld [smem:$0x3FAE]  }
0x2a: {  	p0 =	seq.s32 s5, $0x0;
	s5 =	sld [smem:$0x3FAF]  }
0x2b: {  	s6 =	sld [smem:$0x3FB0]  }
0x2c: {  	s7 =	sld [smem:$0x3FB1]  }
0x2d: {  	s3 =	simm.s32 $0x108;
	s8 =	sld [smem:$0x3FB2]  }
0x2e: {  	s3 =	simm.s32 @!p0 $0x1082;
	s9 =	sld [smem:$0x3FB3]  }
0x2f: {  	lr =	sadd.s32 s0, s3;
	s0 =	sld [smem:$0x3FAA]  }
0x30: {  	s3 =	sld [smem:$0x3FAD]  }
0x31: {  	[smem:$0x3FB6] =	sst s10  }
0x32: {  	s10 =	sld [smem:$0x3FB4];
	_ =	sdelay $0x3  }
0x33: {  	p0 =	seq.s32 s10, $0x1;
	s10 =	sld [smem:$0x3FB6];
	_ =	sdelay $0x3  }
0x34: {  	[smem:$0x3FB6] =	sst s10  }
0x35: {  	s10 =	sld [smem:$0x3FB5];
	_ =	sdelay $0x3  }
0x36: {  	p1 =	seq.s32 s10, $0x1;
	s10 =	sld [smem:$0x3FB6];
	_ =	sdelay $0x3  }
0x37: {  	[smem:$0x3FB6] =	sst s10  }
0x38: {  	s10 =	sld [smem:$0x3FB7]  }
0x39: {  	_ = 	snop;
	(pc) =	sbr.ind lr, $3  }
0x3a: {  	_ = 	snop  }
0x3b: {  	_ = 	snop  }
0x3c: {  	p2 =	seq.s32 s10, $0x1;
	s10 =	sld [smem:$0x3FB6]  }
0x3d: {  	_ =	shalt  }
0x3e: {  	_ =	shalt  }
0x3f: {  	_ =	shalt  }
0x40: {  	_ =	shalt  }
0x41: {  	_ =	shalt  }
0x42: {  	_ =	shalt  }
0x43: {  	_ =	shalt  }
0x44: {  	_ =	shalt  }
0x45: {  	_ =	shalt  }
0x46: {  	_ =	shalt  }
0x47: {  	_ =	shalt  }
0x48: {  	_ =	shalt  }
0x49: {  	_ =	shalt  }
0x4a: {  	_ =	shalt  }
0x4b: {  	_ =	shalt  }
0x4c: {  	_ =	shalt  }
0x4d: {  	_ =	shalt  }
0x4e: {  	_ =	shalt  }
0x4f: {  	_ =	shalt  }
0x50: {  	_ =	shalt  }
0x51: {  	_ =	shalt  }
0x52: {  	_ =	shalt  }
0x53: {  	_ =	shalt  }
0x54: {  	_ =	shalt  }
0x55: {  	_ =	shalt  }
0x56: {  	_ =	shalt  }
0x57: {  	_ =	shalt  }
0x58: {  	_ =	shalt  }
0x59: {  	_ =	shalt  }
0x5a: {  	_ =	shalt  }
0x5b: {  	_ =	shalt  }
0x5c: {  	_ =	shalt  }
0x5d: {  	_ =	shalt  }
0x5e: {  	_ =	shalt  }
0x5f: {  	_ =	shalt  }
0x60: {  	_ =	shalt  }
0x61: {  	_ =	shalt  }
0x62: {  	_ =	shalt  }
0x63: {  	_ =	shalt  }
0x64: {  	_ =	shalt  }
0x65: {  	_ =	shalt  }
0x66: {  	_ =	shalt  }
0x67: {  	_ =	shalt  }
0x68: {  	_ =	shalt  }
0x69: {  	_ =	shalt  }
0x6a: {  	_ =	shalt  }
0x6b: {  	_ =	shalt  }
0x6c: {  	_ =	shalt  }
0x6d: {  	_ =	shalt  }
0x6e: {  	_ =	shalt  }
0x6f: {  	_ =	shalt  }
0x70: {  	_ =	shalt  }
0x71: {  	_ =	shalt  }
0x72: {  	_ =	shalt  }
0x73: {  	_ =	shalt  }
0x74: {  	_ =	shalt  }
0x75: {  	_ =	shalt  }
0x76: {  	_ =	shalt  }
0x77: {  	_ =	shalt  }
0x78: {  	_ =	shalt  }
0x79: {  	_ =	shalt  }
0x7a: {  	_ =	shalt  }
0x7b: {  	_ =	shalt  }
0x7c: {  	_ =	shalt  }
0x7d: {  	_ =	shalt  }
0x7e: {  	_ =	shalt  }
0x7f: {  	_ =	shalt  }
0x80: {  	_ =	shalt  }
0x81: {  	_ =	shalt  }
0x82: {  	_ =	shalt  }
0x83: {  	_ =	shalt  }
0x84: {  	_ =	shalt  }
0x85: {  	_ =	shalt  }
0x86: {  	_ =	shalt  }
0x87: {  	_ =	shalt  }
.Lfunc_end0:
.L_simem_size_0:
called_computation_lowered:
.L_overlay_start_0:
0x88: {  	s2 =	sld [smem:$0x3FD9]  }
0x89: {  	s3 =	sld [smem:$0x3FFE];
	_ =	sdelay $0x1  }
0x8a: {  	s1 =	srdreg.scid  }
0x8b: {  	s0 =	sand.u32 $0x1, s1  }
0x8c: {  	s17 =	sshll.u32 s0, $0xA;
	s2 =	sadd.s32 s3, s2  }
0x8d: {  	s2 =	sadd.s32 s2, s17  }
0x8e: {  	[smem:$0x3FC2] =	sst s2  }
0x8f: {  	_ = 	snop  }
0x90: {  	s2 =	sld [smem:$0x3FD0];
	(tm) =	ssettm $0x1  }
0x91: {  	s18 =	sld [smem:$0x3FFB];
	_ =	sdelay $0x3  }
0x92: {  	_ =	strace s18  }
0x93: {  	s3 =	sld [smem:$0x3FFC];
	_ =	sdelay $0x3  }
0x94: {  	_ =	strace s3  }
0x95: {  	s3 =	sld [smem:$0x3FFD];
	_ =	sdelay $0x3  }
0x96: {  	_ =	strace s3  }
0x97: {  	_ =	strace $0x8FFFFFFF  }
0x98: {  	s19 =	sld [smem:$0x3FDB];
	_ =	sdelay $0x1  }
0x99: {  	s4 =	simm.s32 $_scs_section_size  }
0x9a: {  	s5 =	simm.s32 $_size__tile_overlayer_lowered;
	s6 =	simm.s32 $_tile_overlayer_lowered  }
0x9b: {  	s22 =	simm.s32 $0x1BFF;
	s21 =	sshll.u32 s6, $0x1;
	s3 =	sadd.s32 s4, s19  }
0x9c: {  	s7 =	simm.s32 $0x0;
	s20 =	sshll.u32 s5, $0x1;
	s5 =	sadd.s32 s21, s3  }
0x9d: {  	[timem:s7], [sflag:s22] =	dma.local [hbm:s5], s20  }
0x9e: {  	_ =	swait.ge [sflag:s22], s20  }
0x9f: {  	s4 =	ssub.s32 $0x0, s20;
	[sflag:s22] =	ssyncset.done $0x0  }
0xa0: {  	[sflag:s22] =	ssyncadd.s32 s4;
	_ =	sdelay $0x1  }
0xa1: {  	s23 =	simm.s32 $0x1B8B  }
0xa2: {  	_ =	swait.ge [sflag:s23], $0x1  }
0xa3: {  	[sflag:s23] =	ssyncset.done $0x0  }
0xa4: {  	s25 =	simm.s32 $0x1B8E;
	s24 =	sld [smem:$0x3FFE];
	[sflag:s23] =	ssyncadd.s32 $0xFFFFFFFF  }
0xa5: {  	s26 =	simm.s32 $execute0_lowered;
	[smem:$0x3FD2] =	sst s25  }
0xa6: {  	s5 =	sshll.u32 s26, $0x1;
	_ =	strace $0x80000046;
	[dreg:$0x1] =	wrdreg $0xFFFFFFFF  }
0xa7: {  	s28 =	simm.s32 $_size_execute0_lowered;
	s3 =	sadd.s32 s3, s5;
	[dreg:$0x0] =	wrdreg $0x0  }
0xa8: {  	s5 =	sshll.u32 s28, $0x1;
	[dreg:$0x2] =	wrdreg s3  }
0xa9: {  	[dreg:$0x3] =	wrdreg s5  }
0xaa: {  	[dreg:$0x4] =	wrdreg $0xC0  }
0xab: {  	_ =	task [dreg:s7], $0x5FFFF  }
0xac: {  	[dreg:$0x1] =	wrdreg $0xFFFFFFFF  }
0xad: {  	[dreg:$0x0] =	wrdreg $0x60  }
0xae: {  	[dreg:$0x2] =	wrdreg s24  }
0xaf: {  	[dreg:$0x3] =	wrdreg s2  }
0xb0: {  	[dreg:$0x4] =	wrdreg $0xBB800  }
0xb1: {  	[dreg:$0x5] =	wrdreg $0x9  }
0xb2: {  	_ =	task.clear_ibuf [dreg:s7], $0x6FFFF;
	_ =	strace $0x90000046  }
0xb3: {  	s29 =	simm.s32 $0x9;
	_ =	strace $0x80000048  }
0xb4: {  	_ =	swait.ge [sflag:s29], $0x1  }
0xb5: {  	[sflag:s29] =	ssyncadd.s32 $0xFFFFFFFF  }
0xb6: {  	_ =	strace $0x90000048  }
0xb7: {  	_ =	sfence  }
0xb8: {  	s30 =	sld [smem:$0x0];
	_ =	sdelay $0x2  }
0xb9: {  	s31 =	sshll.u32 s1, $0xD;
	s1 =	sshrl.u32 s1, $0x2  }
0xba: {  	s3 =	sand.u32 $0x4000, s31;
	s1 =	sadd.s32 s1, s30  }
0xbb: {  	s0 =	sor.u32 s3, s0;
	s1 =	sshll.u32 s1, $0x11  }
0xbc: {  	s0 =	sor.u32 s1, s0  }
0xbd: {  	s0 =	sadd.s32 $0x8F2B, s0  }
0xbe: {  	[sflag:s0] =	ssyncadd.remote.s32 $0x1  }
0xbf: {  	_ =	sfence.sel $0xFFFF  }
0xc0: {  	[dreg:$0x0] =	wrdreg $0xFFFFFFFF;
	(pc) =	sbr.abs _section_cstart, $3  }
0xc1: {  	[dreg:$0x1] =	wrdreg $0xFFFFFFFF  }
0xc2: {  	_ =	task.clear_ibuf [dreg:s7], $0x2FFFF;
	_ =	strace $0x9FFFFFFF  }
0xc3: {  	(tm) =	ssettm $0x7FFFFFFF  }
tec
execute0_lowered:
.L_overlay_start_1:
0x0: {  	(tag) =	ssettag $0x1  }
0x1: {  	s0 =	rddreg [dreg:$0x0]  }
0x2: {  	s1 =	rddreg [dreg:$0x1]  }
0x3: {  	s2 =	rddreg [dreg:$0x2];
	s3 =	srdreg.scid  }
0x4: {  	s21 =	stileid.u32;
	s4 =	simm.s32 $0x0;
	s22 =	simm.s32 $0x5  }
0x5: {  	s23 =	simm.s32 $0x6B80;
	s24 =	simm.s32 $0x200;
	s29 =	simm.s32 $0x9380  }
0x6: {  	s30 =	simm.s32 $0x1;
	s31 =	simm.s32 $0x2;
	s3 =	sand.u32 $0x1, s3  }
0x7: {  	s7 =	smul.u32 $0x270, s21;
	[smem:$0x7FF] =	sst s4;
	s4 =	sadd.s32 $0x14600, s0  }
0x8: {  	s5 =	sadd.s32 $0xA800, s0;
	s6 =	sadd.s32 $0xA00, s0;
	s25 =	sadd.s32 $0x433200, s0  }
0x9: {  	s26 =	smul.u32 $0x4E000, s21;
	s18 =	sadd.s32 $0x136000, s2;
	p0 =	seq.s32 s21, $0xF  }
0xa: {  	s8 =	smul.u32 $0x2710, s3;
	_ =	strace $0x80000047;
	[dreg:$0x4] =	wrdreg s25  }
0xb: {  	s28 =	ssub.s32 $0x2, s3;
	s3 =	sshll.u32 s3, $0x4;
	s25 =	simm.s32 $0x50  }
0xc: {  	s9 =	sshrl.u32 s28, $0x1;
	s3 =	sor.u32 s21, s3;
	s7 =	sadd.s32 s7, s8  }
0xd: {  	s8 =	sshrl.u32 s26, $0x2;
	s10 =	sshll.u32 s3, $0xB;
	s26 =	simm.s32 $0x0  }
0xe: {  	s7 =	sshll.u32 s7, $0x4;
	s8 =	sadd.s32 s8, s2;
	s1 =	sadd.s32 s1, s10  }
0xf: {  	s0 =	sadd.s32 s7, s0;
	s7 =	ssub.s32 s28, s9;
	s9 =	smul.u32 $0x2710, s3  }
0x10: {  	[dreg:$0x5] =	wrdreg s1;
	s11 =	sadd.s32 $0x2800, s8;
	s12 =	sadd.s32 $0x5000, s8  }
0x11: {  	s13 =	sadd.s32 $0x7800, s8;
	s14 =	sadd.s32 $0xA000, s8;
	s15 =	sadd.s32 $0xC800, s8  }
0x12: {  	s16 =	sadd.s32 $0xF000, s8;
	s17 =	sadd.s32 $0x11800, s8;
	s1 =	simm.s32 $0x4  }
0x13: {  	s19 =	sadd.s32 $0x433800, s0;
	s20 =	smax.u32 s7, $0x1;
	s0 =	simm.s32 $0x3  }
.LBB2_1:
0x14: {  	s3 =	simm.s32 $0x0;
	s7 =	rddreg [dreg:$0x5];
	s10 =	simm.s32 $0x2B80  }
0x15: {  	[tilespmem:s10], [sflag:$0x5] =	stream.linear.gather [hbm4b:s7+s3], $0x3E80, $0x38;
	[tilespmem:$0x1F400] =	vst v63  }
0x16: {  	_ =	swait.ge [sflag:s22], $0x3E80  }
0x17: {  	[sflag:s22] =	ssyncset.done $0x0  }
0x18: {  	s21 =	rddreg [dreg:$0x4];
	[sflag:s22] =	ssyncadd.s32 $0xFFFFC180  }
0x19: {  	[tilespmem:s23], [sflag:$0x5] =	stream.linear.gather [hbm4b:s21+s3], $0x2800, $0x38;
	[tilespmem:$0x1F400] =	vst v63  }
0x1a: {  	_ =	swait.ge [sflag:s22], $0x2800  }
0x1b: {  	[sflag:s22] =	ssyncset.done $0x0  }
0x1c: {  	[sflag:s22] =	ssyncadd.s32 $0xFFFFD800  }
0x1d: {  	[spmem:s8] =	stream.linear.scatter [tilespmem:s23], [sflag:$0x5], $0x2800, $0x38;
	[tilespmem:$0x1F400] =	vst v63  }
0x1e: {  	_ =	swait.ge [sflag:s22], $0x2800  }
0x1f: {  	[sflag:s22] =	ssyncset.done $0x0  }
0x20: {  	[sflag:s22] =	ssyncadd.s32 $0xFFFFD800  }
0x21: {  	[spmem:s11] =	stream.linear.scatter [tilespmem:s23], [sflag:$0x5], $0x2800, $0x38;
	[tilespmem:$0x1F400] =	vst v63  }
0x22: {  	_ =	swait.ge [sflag:s22], $0x2800  }
0x23: {  	[sflag:s22] =	ssyncset.done $0x0  }
0x24: {  	[sflag:s22] =	ssyncadd.s32 $0xFFFFD800  }
0x25: {  	[spmem:s12] =	stream.linear.scatter [tilespmem:s23], [sflag:$0x5], $0x2800, $0x38;
	[tilespmem:$0x1F400] =	vst v63  }
0x26: {  	_ =	swait.ge [sflag:s22], $0x2800  }
0x27: {  	[sflag:s22] =	ssyncset.done $0x0  }
0x28: {  	[sflag:s22] =	ssyncadd.s32 $0xFFFFD800  }
0x29: {  	[spmem:s13] =	stream.linear.scatter [tilespmem:s23], [sflag:$0x5], $0x2800, $0x38;
	[tilespmem:$0x1F400] =	vst v63  }
0x2a: {  	_ =	swait.ge [sflag:s22], $0x2800  }
0x2b: {  	[sflag:s22] =	ssyncset.done $0x0  }
0x2c: {  	[sflag:s22] =	ssyncadd.s32 $0xFFFFD800  }
0x2d: {  	[spmem:s14] =	stream.linear.scatter [tilespmem:s23], [sflag:$0x5], $0x2800, $0x38;
	[tilespmem:$0x1F400] =	vst v63  }
0x2e: {  	_ =	swait.ge [sflag:s22], $0x2800  }
0x2f: {  	[sflag:s22] =	ssyncset.done $0x0  }
0x30: {  	[sflag:s22] =	ssyncadd.s32 $0xFFFFD800  }
0x31: {  	[spmem:s15] =	stream.linear.scatter [tilespmem:s23], [sflag:$0x5], $0x2800, $0x38;
	[tilespmem:$0x1F400] =	vst v63  }
0x32: {  	_ =	swait.ge [sflag:s22], $0x2800  }
0x33: {  	[sflag:s22] =	ssyncset.done $0x0  }
0x34: {  	[sflag:s22] =	ssyncadd.s32 $0xFFFFD800  }
0x35: {  	[spmem:s16] =	stream.linear.scatter [tilespmem:s23], [sflag:$0x5], $0x2800, $0x38;
	[tilespmem:$0x1F400] =	vst v63  }
0x36: {  	_ =	swait.ge [sflag:s22], $0x2800  }
0x37: {  	[sflag:s22] =	ssyncset.done $0x0  }
0x38: {  	s3 =	simm.s32 @p0 $0x6B80;
	[sflag:s22] =	ssyncadd.s32 $0xFFFFD800  }
0x39: {  	[spmem:s18] =	stream.linear.scatter @p0 [tilespmem:s3], [sflag:$0x5], $0x2800, $0x38;
	[tilespmem:$0x1F400] =	vst v63  }
0x3a: {  	s3 =	simm.s32 @p0 $0x5  }
0x3b: {  	_ =	swait.ge @p0 [sflag:s3], $0x2800  }
0x3c: {  	[sflag:s3] =	ssyncset.done @p0 $0x0  }
0x3d: {  	[sflag:s3] =	ssyncadd.s32 @p0 $0xFFFFD800;
	s3 =	simm.s32 @!p0 $0x6B80  }
0x3e: {  	[spmem:s17] =	stream.linear.scatter @!p0 [tilespmem:s3], [sflag:$0x5], $0x2000, $0x38;
	[tilespmem:$0x1F400] =	vst v63  }
0x3f: {  	s3 =	simm.s32 @!p0 $0x5  }
0x40: {  	_ =	swait.ge @!p0 [sflag:s3], $0x2000  }
0x41: {  	[sflag:s3] =	ssyncset.done @!p0 $0x0  }
0x42: {  	s28 =	simm.s32 $0x400;
	s21 =	simm.s32 $0x0;
	[sflag:s3] =	ssyncadd.s32 @!p0 $0xFFFFE000  }
.LBB2_2:
0x43: {  	s3 =	smul.u32 $0x190, s21;
	_ =	sdelay $0x1  }
0x44: {  	s3 =	sadd.s32 s9, s3  }
0x45: {  	s3 =	sshrl.u32 s3, $0x3  }
0x46: {  	s10 =	simm.s32 $0x0;
	s7 =	sadd.s32 s5, s3  }
0x47: {  	[tilespmem:s10], [sflag:$0x5] =	stream.linear.gather [hbm4b:s7+s10], $0x190, $0x38;
	[tilespmem:$0x1F400] =	vst v63  }
0x48: {  	_ =	swait.ge [sflag:s22], $0x190  }
0x49: {  	[sflag:s22] =	ssyncset.done $0x0  }
0x4a: {  	s3 =	sadd.s32 s6, s3;
	[sflag:s22] =	ssyncadd.s32 $0xFFFFFE70  }
0x4b: {  	[tilespmem:s24], [sflag:$0x5] =	stream.linear.gather [hbm4b:s3+s10], $0x190, $0x38;
	[tilespmem:$0x1F400] =	vst v63  }
0x4c: {  	_ =	swait.ge [sflag:s22], $0x190  }
0x4d: {  	[sflag:s22] =	ssyncset.done $0x0  }
0x4e: {  	v0 =	vmov s28;
	s7 =	simm.s32 $0x40;
	s3 =	simm.s32 $0x0;
	[sflag:s22] =	ssyncadd.s32 $0xFFFFFE70  }
.LBB2_3:
0x4f: {  	p1 =	sne.s32 s7, $0x600;
	v1 =	vld [tilespmem:s3+$0x200];
	_ =	sdelay $0x1  }
0x50: {  	v2 =	vld [tilespmem:s3+$0x0];
	_ =	sdelay $0x1  }
.Ltmp0:
0x51: {  	(pc) =	sbr.rel @p1 .LBB2_3-.Ltmp0, $3  }
0x52: {  	v1 =	vmul.u32 $0x2710, v1;
	_ =	sdelay $0x1  }
0x53: {  	v1 =	vadd.s32 v2, v1  }
0x54: {  	[tilespmem:v0+s3+$0x0 ss:$0x1] =	vst.idx.msk $0xffff, v1;
	s3 =	sshra.s32 s7, $0x2;
	s7 =	sadd.s32 $0x40, s7  }
0x55: {  	v1 =	vld [tilespmem:s3+$0x200];
	_ =	sdelay $0x1  }
0x56: {  	v2 =	vld [tilespmem:s3+$0x0];
	s21 =	sadd.s32 $0x1, s21  }
0x57: {  	p1 =	sne.s32 s21, $0x19  }
.Ltmp1:
0x58: {  	_ = 	snop;
	(pc) =	sbr.rel @p1 .LBB2_2-.Ltmp1, $3  }
0x59: {  	v1 =	vmul.u32 $0x2710, v1;
	_ =	sdelay $0x1  }
0x5a: {  	v1 =	vadd.s32 v2, v1  }
0x5b: {  	s28 =	sadd.s32 $0x190, s28;
	[tilespmem:v0+s3+$0x0 ss:$0x1] =	vst.idx.msk $0xffff, v1  }
0x5c: {  	[bflag:$0x0] =	sbarrier.arrive $0xFFFF;
	s3 =	simm.s32 $0x400  }
0x5d: {  	[tilespmem:s23], [sflag:$0x1] =	stream.indirect.gather [hbm4b:s4+s25], $0x80, s3, s25, $0xb8;
	[tilespmem:$0x1F400] =	vst v63  }
0x5e: {  	s21 =	simm.s32 $0x450  }
0x5f: {  	[tilespmem:s29], [sflag:$0x2] =	stream.indirect.gather [hbm4b:s4+s25], $0x80, s21, s25, $0xb8;
	[tilespmem:$0x1F400] =	vst v63  }
0x60: {  	_ =	swait.ge [sflag:s30], $0x2800  }
0x61: {  	[sflag:s30] =	ssyncset.done $0x0  }
0x62: {  	s7 =	simm.s32 $0x2B80;
	[sflag:s30] =	ssyncadd.s32 $0xFFFFD800  }
0x63: {  	[spmem:s2] =	stream.indirect.scatter.add.f32 [tilespmem:s23], [sflag:$0x3], $0x80, s7, s25, $0xb8;
	[tilespmem:$0x1F400] =	vst v63  }
0x64: {  	_ =	swait.ge [sflag:s31], $0x2800  }
0x65: {  	[sflag:s31] =	ssyncset.done $0x0  }
0x66: {  	s10 =	simm.s32 $0x2C00;
	[sflag:s31] =	ssyncadd.s32 $0xFFFFD800  }
0x67: {  	[spmem:s2] =	stream.indirect.scatter.add.f32 [tilespmem:s29], [sflag:$0x4], $0x80, s10, s25, $0xb8;
	[tilespmem:$0x1F400] =	vst v63  }
0x68: {  	_ =	swait.ge [sflag:s0], $0x2800  }
0x69: {  	[sflag:s0] =	ssyncset.done $0x0  }
0x6a: {  	s21 =	simm.s32 $0x4A0;
	[sflag:s0] =	ssyncadd.s32 $0xFFFFD800  }
0x6b: {  	[tilespmem:s23], [sflag:$0x1] =	stream.indirect.gather [hbm4b:s4+s25], $0x80, s21, s25, $0xb8;
	[tilespmem:$0x1F400] =	vst v63  }
0x6c: {  	_ =	swait.ge [sflag:s1], $0x2800  }
0x6d: {  	s28 =	simm.s32 $0x400;
	[sflag:s1] =	ssyncset.done $0x0  }
0x6e: {  	s3 =	simm.s32 $0x590;
	s21 =	simm.s32 $0x4F0;
	[sflag:s1] =	ssyncadd.s32 $0xFFFFD800  }
.LBB2_6:
0x6f: {  	[tilespmem:s29], [sflag:$0x2] =	stream.indirect.gather [hbm4b:s4+s25], $0x80, s21, s25, $0xb8;
	[tilespmem:$0x1F400] =	vst v63  }
0x70: {  	s7 =	smov.u32 s28;
	s21 =	smov.u32 s3  }
0x71: {  	p1 =	sne.s32 s28, $0xF000;
	s28 =	sadd.s32 $0x400, s28;
	_ =	swait.ge [sflag:s30], $0x2800  }
0x72: {  	s7 =	sshra.s32 s7, $0x2;
	[sflag:s30] =	ssyncset.done $0x0  }
0x73: {  	s10 =	sadd.s32 $0x2B80, s7;
	[sflag:s30] =	ssyncadd.s32 $0xFFFFD800  }
0x74: {  	[spmem:s2] =	stream.indirect.scatter.add.f32 [tilespmem:s23], [sflag:$0x3], $0x80, s10, s25, $0xb8;
	[tilespmem:$0x1F400] =	vst v63  }
0x75: {  	_ =	swait.ge [sflag:s31], $0x2800  }
0x76: {  	[sflag:s31] =	ssyncset.done $0x0  }
0x77: {  	s7 =	sadd.s32 $0x2C00, s7;
	[sflag:s31] =	ssyncadd.s32 $0xFFFFD800  }
0x78: {  	[spmem:s2] =	stream.indirect.scatter.add.f32 [tilespmem:s29], [sflag:$0x4], $0x80, s7, s25, $0xb8;
	[tilespmem:$0x1F400] =	vst v63  }
0x79: {  	_ =	swait.ge [sflag:s0], $0x2800  }
0x7a: {  	[sflag:s0] =	ssyncset.done $0x0  }
.Ltmp2:
0x7b: {  	s7 =	sadd.s32 $0xFFFFFFB0, s3;
	[sflag:s0] =	ssyncadd.s32 $0xFFFFD800;
	(pc) =	sbr.rel @p1 .LBB2_6-.Ltmp2, $4  }
0x7c: {  	[tilespmem:s23], [sflag:$0x1] =	stream.indirect.gather [hbm4b:s4+s25], $0x80, s7, s25, $0xb8;
	[tilespmem:$0x1F400] =	vst v63  }
0x7d: {  	_ =	swait.ge [sflag:s1], $0x2800  }
0x7e: {  	[sflag:s1] =	ssyncset.done $0x0  }
0x7f: {  	s3 =	sadd.s32 $0xA0, s3;
	[sflag:s1] =	ssyncadd.s32 $0xFFFFD800  }
0x80: {  	[tilespmem:s29], [sflag:$0x2] =	stream.indirect.gather [hbm4b:s4+s25], $0x80, s21, s25, $0xb8;
	[tilespmem:$0x1F400] =	vst v63  }
0x81: {  	_ =	swait.ge [sflag:s30], $0x2800  }
0x82: {  	[sflag:s30] =	ssyncset.done $0x0  }
0x83: {  	s3 =	simm.s32 $0x6880;
	[sflag:s30] =	ssyncadd.s32 $0xFFFFD800  }
0x84: {  	[spmem:s2] =	stream.indirect.scatter.add.f32 [tilespmem:s23], [sflag:$0x3], $0x80, s3, s25, $0xb8;
	[tilespmem:$0x1F400] =	vst v63  }
0x85: {  	_ =	swait.ge [sflag:s31], $0x2800  }
0x86: {  	[sflag:s31] =	ssyncset.done $0x0  }
0x87: {  	s10 =	simm.s32 $0x6900;
	[sflag:s31] =	ssyncadd.s32 $0xFFFFD800  }
0x88: {  	[spmem:s2] =	stream.indirect.scatter.add.f32 [tilespmem:s29], [sflag:$0x4], $0x80, s10, s25, $0xb8;
	[tilespmem:$0x1F400] =	vst v63  }
0x89: {  	_ =	swait.ge [sflag:s0], $0x2800  }
0x8a: {  	[sflag:s0] =	ssyncset.done $0x0  }
0x8b: {  	s21 =	simm.s32 $0x2AC0;
	[sflag:s0] =	ssyncadd.s32 $0xFFFFD800  }
0x8c: {  	[tilespmem:s23], [sflag:$0x1] =	stream.indirect.gather [hbm4b:s4+s25], $0x80, s21, s25, $0xb8;
	[tilespmem:$0x1F400] =	vst v63  }
0x8d: {  	_ =	swait.ge [sflag:s1], $0x2800  }
0x8e: {  	[sflag:s1] =	ssyncset.done $0x0  }
0x8f: {  	[sflag:s1] =	ssyncadd.s32 $0xFFFFD800  }
0x90: {  	_ =	swait.ge [sflag:s30], $0x2800  }
0x91: {  	[sflag:s30] =	ssyncset.done $0x0  }
0x92: {  	s28 =	simm.s32 $0x6980;
	[sflag:s30] =	ssyncadd.s32 $0xFFFFD800  }
0x93: {  	[spmem:s2] =	stream.indirect.scatter.add.f32 [tilespmem:s23], [sflag:$0x5], $0x80, s28, s25, $0xb8;
	[tilespmem:$0x1F400] =	vst v63  }
0x94: {  	_ =	swait.ge [sflag:s22], $0x2800  }
0x95: {  	[sflag:s22] =	ssyncset.done $0x0  }
0x96: {  	[sflag:s22] =	ssyncadd.s32 $0xFFFFD800  }
0x97: {  	s7 =	simm.s32 @p0 $0x1FC5;
	s3 =	sshrl.u32 @p0 s8, $0x3;
	[bflag:$0x0] =	sbarrier.arrive $0xFFFF  }
0x98: {  	[hbm:s19], [sflag:s7] =	dma.local @p0 [spmem:s3], $0x2800  }
0x99: {  	s3 =	simm.s32 @p0 $0x5  }
0x9a: {  	s26 =	sadd.s32 $0x1, s26;
	s7 =	stileid.u32;
	_ =	swait.ge @p0 [sflag:s3], $0x2800  }
0x9b: {  	p1 =	sne.s32 s26, s20;
	s7 =	sshll.u32 @!p0 s7, $0x6;
	[sflag:s3] =	ssyncset.done @p0 $0x0  }
0x9c: {  	[sflag:s3] =	ssyncadd.s32 @p0 $0xFFFFD800;
	s3 =	sor.u32 @!p0 $0x1C05, s7;
	s7 =	sshrl.u32 @!p0 s8, $0x3  }
0x9d: {  	[hbm:s19], [sflag:s3] =	dma.local @!p0 [spmem:s7], $0x2700  }
.Ltmp3:
0x9e: {  	_ = 	snop;
	(pc) =	sbr.rel @p1 .LBB2_1-.Ltmp3, $4  }
0x9f: {  	s3 =	simm.s32 @!p0 $0x5  }
0xa0: {  	_ =	swait.ge @!p0 [sflag:s3], $0x2700  }
0xa1: {  	[sflag:s3] =	ssyncset.done @!p0 $0x0  }
0xa2: {  	[sflag:s3] =	ssyncadd.s32 @!p0 $0xFFFFD900  }
0xa3: {  	_ =	sfence.sel $0x180000  }
0xa4: {  	[bflag:$0x0] =	sbarrier.arrive $0xFFFF  }
0xa5: {  	_ =	strace $0x90000047  }
0xa6: {  	s0 =	stileid.u32;
	[bflag:$0x2] =	sbarrier.arrive $0xFFFF  }
0xa7: {  	p0 =	sne.s32 s0, $0x0;
	s0 =	rddreg [dreg:$0x3]  }
0xa8: {  	s0 =	sadd.s32 @!p0 $0x100000, s0  }
0xa9: {  	[sflag:s0] =	ssyncadd.tile.s32 @!p0 $0x1;
	_ =	shalt  }
.Lfunc_end2:
_tile_overlayer_lowered:
.L_overlay_start_2:
0xaa: {  	(tag) =	ssettag $0x2  }
0xab: {  	s0 =	rddreg [dreg:$0x0];
	s2 =	stileid.u32  }
0xac: {  	s1 =	rddreg [dreg:$0x1];
	p0 =	sne.s32 s2, $0x0  }
0xad: {  	s3 =	rddreg [dreg:$0x2];
	[bflag:$0x3] =	sbarrier.arrive $0xFFFF;
	s2 =	simm.s32 @!p0 $0x1C05  }
0xae: {  	[timem:s3], [sflag:s2] =	dma.local @!p0 [hbm:s0], s1  }
0xaf: {  	s0 =	simm.s32 @!p0 $0x5  }
0xb0: {  	_ =	swait.ge @!p0 [sflag:s0], s1  }
0xb1: {  	s1 =	ssub.s32 @!p0 $0x0, s1;
	[sflag:s0] =	ssyncset.done @!p0 $0x0  }
0xb2: {  	[sflag:s0] =	ssyncadd.s32 @!p0 s1  }
0xb3: {  	[bflag:$0x3] =	sbarrier.arrive $0xFFFF  }
0xb4: {  	_ =	shalt  }

</sc_bundles>
